<compile_context>
chip_gen: v7x
topology: tpu7x:2x2x1
jax: 0.10.2.dev20260603
libtpu: 0.0.44.dev20260713+nightly
codegen_flags: <defaults>
</compile_context>

<pallas_src>
import functools

import jax
import jax.numpy as jnp
from jax import lax
from jax.experimental import pallas as pl
from jax.experimental.pallas import tpu as pltpu
from jax.experimental.pallas import tpu_sc as plsc

_NC = 2
_NS = 16
_NW = _NC * _NS

_D = 64
_NR = 32
_CHUNK = 128


def _sc_gather128(table128, idx):
    b3 = idx.shape[0]
    b_per_w = b3 // _NW
    n_q = 4
    q_rows = b_per_w // n_q
    n_chunks = q_rows // _CHUNK
    assert q_rows % _CHUNK == 0

    mesh = plsc.VectorSubcoreMesh(core_axis_name="c", subcore_axis_name="s")

    @functools.partial(
        pl.kernel,
        out_type=jax.ShapeDtypeStruct((b3, 128), jnp.float32),
        mesh=mesh,
        compiler_params=pltpu.CompilerParams(use_tc_tiling_on_sc=True),
        scratch_types=[
            pltpu.VMEM((b_per_w,), jnp.int32),
            pltpu.VMEM((q_rows, 128), jnp.float32),
            pltpu.VMEM((q_rows, 128), jnp.float32),
            pltpu.SemaphoreType.DMA,
            pltpu.SemaphoreType.DMA,
        ],
    )
    def gather_kernel(table_hbm, idx_hbm, out_hbm, idx_v, rows_a, rows_b,
                      sem_a, sem_b):
        wid = lax.axis_index("s") * _NC + lax.axis_index("c")
        base = wid * b_per_w
        pltpu.sync_copy(idx_hbm.at[pl.ds(base, b_per_w)], idx_v)
        bufs = ((rows_a, sem_a), (rows_b, sem_b))

        def chunk_copies(qq):
            rows_v, sem = bufs[qq % 2]
            return [
                pltpu.make_async_copy(
                    table_hbm.at[idx_v.at[pl.ds(qq * q_rows + j * _CHUNK,
                                                _CHUNK)]],
                    rows_v.at[pl.ds(j * _CHUNK, _CHUNK)],
                    sem,
                )
                for j in range(n_chunks)
            ]

        for c in chunk_copies(0):
            c.start()
        for qq in range(1, n_q + 1):
            if qq <= n_q - 1:
                for c in chunk_copies(qq):
                    c.start()
            prev = qq - 1
            rows_v, _ = bufs[prev % 2]
            for c in chunk_copies(prev):
                c.wait()
            pltpu.sync_copy(rows_v,
                            out_hbm.at[pl.ds(base + prev * q_rows, q_rows)])

    return gather_kernel(table128, idx)


def _tc_transform(r2d, rows3, w_flat, rel_embed, batch, blk):
    n_blocks = batch // blk
    kdim = _NR * _D

    def body(r_ref, xh_ref, xp_ref, xn_ref, wf_ref, rel_ref,
             oh_ref, op_ref, on_ref, or_ref):
        rcol = r_ref[...]
        lane_rel = lax.broadcasted_iota(jnp.int32, (blk, kdim), 1) >> 6
        mask = lane_rel == rcol
        wf = wf_ref[...]

        def trans(x_ref, o_ref):
            x = x_ref[...][:, :_D]
            xt = jnp.concatenate([x] * _NR, axis=1)
            z = jnp.where(mask, xt, 0.0)
            o_ref[...] = jnp.dot(z, wf, preferred_element_type=jnp.float32)

        trans(xh_ref, oh_ref)
        trans(xp_ref, op_ref)
        trans(xn_ref, on_ref)

        onehot = (lax.broadcasted_iota(jnp.int32, (blk, _NR), 1)
                  == rcol).astype(jnp.float32)
        or_ref[...] = jnp.dot(onehot, rel_ref[...],
                              preferred_element_type=jnp.float32)

    out_block = pl.BlockSpec((blk, _D), lambda i: (i, 0))
    return pl.pallas_call(
        body,
        grid=(n_blocks,),
        in_specs=[
            pl.BlockSpec((blk, 1), lambda i: (i, 0)),
            pl.BlockSpec((blk, 128), lambda i: (i, 0)),
            pl.BlockSpec((blk, 128), lambda i: (i + n_blocks, 0)),
            pl.BlockSpec((blk, 128), lambda i: (i + 2 * n_blocks, 0)),
            pl.BlockSpec((kdim, _D), lambda i: (0, 0)),
            pl.BlockSpec((_NR, _D), lambda i: (0, 0)),
        ],
        out_specs=[out_block, out_block, out_block, out_block],
        out_shape=[jax.ShapeDtypeStruct((batch, _D), jnp.float32)] * 4,
    )(r2d, rows3, rows3, rows3, w_flat, rel_embed)


def kernel(h, r, pos_t, neg_t, entity_embed, relation_embed, W_r):
    batch = h.shape[0]
    table128 = jnp.pad(entity_embed, ((0, 0), (0, 128 - _D)))
    idx_all = jnp.concatenate([h, pos_t, neg_t]).astype(jnp.int32)
    rows3 = _sc_gather128(table128, idx_all)
    w_flat = W_r.reshape(_NR * _D, _D)
    r2d = r.astype(jnp.int32)[:, None]
    h_e, pos_t_e, neg_t_e, r_embed = _tc_transform(
        r2d, rows3, w_flat, relation_embed, batch, blk=1024)
    return (h_e, pos_t_e, neg_t_e, r_embed)

# --- scband reference (transcript-rebuilt; emitter-appended) ---
"""Pipeline reference for scband-kgat-61040075210791 (READ-ONLY COPY).

The authoritative reference and input builder live on the scoring server;
editing this copy changes nothing except your own understanding.
"""

import jax, jax.numpy as jnp
import numpy as np

N_USERS = 100000
N_ENTITIES = 1000000
ENTITY_DIM = 64
N_RELATIONS = 32
RELATION_DIM = 64
BATCH = 16384


def setup_inputs(seed: int = 0) -> dict:
    key = jax.random.key(seed)
    k1, k2, k3, k4, k5, k6, k7 = jax.random.split(key, 7)
    h = jax.random.randint(k1, (BATCH,), 0, N_ENTITIES)
    r = jax.random.randint(k2, (BATCH,), 0, N_RELATIONS)
    pos_t = jax.random.randint(k3, (BATCH,), 0, N_ENTITIES)
    neg_t = jax.random.randint(k4, (BATCH,), 0, N_ENTITIES)
    # learned parameters (embedding tables + relation projection tensors)
    entity_embed = jax.random.normal(k5, (N_ENTITIES, ENTITY_DIM), dtype=jnp.float32) * 0.02
    relation_embed = jax.random.normal(k6, (N_RELATIONS, RELATION_DIM), dtype=jnp.float32) * 0.02
    # xavier-uniform-ish init for W_r
    limit = float(np.sqrt(6.0 / (ENTITY_DIM + RELATION_DIM))) * float(np.sqrt(2.0))
    W_r = jax.random.uniform(k7, (N_RELATIONS, ENTITY_DIM, RELATION_DIM), dtype=jnp.float32, minval=-limit, maxval=limit)
    return {"h": h, "r": r, "pos_t": pos_t, "neg_t": neg_t,
            "entity_embed": entity_embed, "relation_embed": relation_embed, "W_r": W_r}


def reference(h, r, pos_t, neg_t, entity_embed, relation_embed, W_r):
    # KGAT.kg_embedding forward
    r_embed = jnp.take(relation_embed, r, axis=0)            # [B, relation_dim]
    r_trans_M = jnp.take(W_r, r, axis=0)                     # [B, entity_dim, relation_dim]
    h_embed = jnp.take(entity_embed, h, axis=0)              # [B, entity_dim]
    pos_t_embed = jnp.take(entity_embed, pos_t, axis=0)      # [B, entity_dim]
    neg_t_embed = jnp.take(entity_embed, neg_t, axis=0)      # [B, entity_dim]
    # bmm(h_embed.unsqueeze(1), r_trans_M).squeeze(1)
    h_e = jnp.einsum('bd,bdr->br', h_embed, r_trans_M)
    pos_t_e = jnp.einsum('bd,bdr->br', pos_t_embed, r_trans_M)
    neg_t_e = jnp.einsum('bd,bdr->br', neg_t_embed, r_trans_M)
    return (h_e, pos_t_e, neg_t_e, r_embed)

if __name__ == "__main__":
    import jax
    _d = setup_inputs()
    print(jax.jit(kernel)(*tuple(_d.values())))

</pallas_src>

<mosaic_0001>
#map = affine_map<(d0, d1) -> (0, 0)>
#map1 = affine_map<(d0, d1) -> (0)>
module attributes {stable_mosaic.version = 14 : i64} {
  func.func @gather_kernel(%arg0: i32, %arg1: i32, %arg2: memref<1000000x128xf32, #tpu.memory_space<hbm>>, %arg3: memref<49152xi32, #tpu.memory_space<hbm>>, %arg4: memref<49152x128xf32, #tpu.memory_space<hbm>>, %arg5: memref<1536xi32, #tpu.memory_space<vmem>>, %arg6: memref<384x128xf32, #tpu.memory_space<vmem>>, %arg7: memref<384x128xf32, #tpu.memory_space<vmem>>, %arg8: memref<!tpu.dma_semaphore, #tpu.memory_space<semaphore_mem>>, %arg9: memref<!tpu.dma_semaphore, #tpu.memory_space<semaphore_mem>>) attributes {dimension_semantics = [#tpu.dimension_semantics<core_parallel>, #tpu.dimension_semantics<subcore_parallel>], iteration_bounds = array<i64: 2, 16>, scalar_prefetch = 0 : i64, scratch_operands = 5 : i64, tpu.core_type = #tpu.core_type<sc_vector_subcore>, window_params = [{transform_indices = #map}, {transform_indices = #map1}, {transform_indices = #map}]} {
    %mul3A = arith.constant 2 : i32
    %mul3A_0 = arith.muli %arg1, %mul3A : i32
    %add3A = arith.addi %mul3A_0, %arg0 : i32
    %mul3A_1 = arith.constant 1536 : i32
    %mul3A_2 = arith.muli %add3A, %mul3A_1 : i32
    "tpu.region"() ({
      %run_scoped3A = tpu.sem_alloc : memref<!tpu.dma_semaphore, #tpu.memory_space<semaphore_mem>>
      %dma_start3A_201 = tpu.memref_slice %arg3[%mul3A_2] : memref<49152xi32, #tpu.memory_space<hbm>> -> memref<1536xi32, #tpu.memory_space<hbm>>
      %dma_start3A_202 = tpu.memref_slice %arg3[%mul3A_2] : memref<49152xi32, #tpu.memory_space<hbm>> -> memref<1536xi32, #tpu.memory_space<hbm>>
      tpu.enqueue_dma source(%dma_start3A_202 : memref<1536xi32, #tpu.memory_space<hbm>>) target(%arg5 : memref<1536xi32, #tpu.memory_space<vmem>>) target_semaphore(%run_scoped3A : memref<!tpu.dma_semaphore, #tpu.memory_space<semaphore_mem>>)
      %dma_wait3A_203 = tpu.memref_slice %arg3[%mul3A_2] : memref<49152xi32, #tpu.memory_space<hbm>> -> memref<1536xi32, #tpu.memory_space<hbm>>
      %dma_wait3A_204 = tpu.memref_slice %arg3[%mul3A_2] : memref<49152xi32, #tpu.memory_space<hbm>> -> memref<1536xi32, #tpu.memory_space<hbm>>
      tpu.wait_dma2 semaphore(%run_scoped3A : memref<!tpu.dma_semaphore, #tpu.memory_space<semaphore_mem>>) src(%dma_wait3A_204 : memref<1536xi32, #tpu.memory_space<hbm>>) dst(%arg5 : memref<1536xi32, #tpu.memory_space<vmem>>)
      tpu.yield
    }) : () -> ()
    %dma_start3A = arith.constant 0 : i32
    %dma_start3A_3 = arith.constant 0 : i32
    %dma_start3A_4 = tpu.memref_slice %arg6[%dma_start3A, %dma_start3A_3] : memref<384x128xf32, #tpu.memory_space<vmem>> -> memref<128x128xf32, #tpu.memory_space<vmem>>
    %dma_start3A_5 = arith.constant 0 : i32
    %dma_start3A_6 = tpu.memref_slice %arg5[%dma_start3A_5] : memref<1536xi32, #tpu.memory_space<vmem>> -> memref<128xi32, #tpu.memory_space<vmem>>
    %dma_start3A_7 = arith.constant 0 : i32
    %dma_start3A_8 = arith.constant 0 : i32
    %dma_start3A_9 = tpu.memref_slice %arg2[%dma_start3A_7, %dma_start3A_8] : memref<1000000x128xf32, #tpu.memory_space<hbm>> -> memref<1000000x128xf32, #tpu.memory_space<hbm>>
    tpu.enqueue_indirect_dma source(%dma_start3A_9 : memref<1000000x128xf32, #tpu.memory_space<hbm>>) target(%dma_start3A_4 : memref<128x128xf32, #tpu.memory_space<vmem>>) offsets(%dma_start3A_6 : memref<128xi32, #tpu.memory_space<vmem>>) semaphore(%arg8 : memref<!tpu.dma_semaphore, #tpu.memory_space<semaphore_mem>>)
    %dma_start3A_10 = arith.constant 128 : i32
    %dma_start3A_11 = arith.constant 0 : i32
    %dma_start3A_12 = tpu.memref_slice %arg6[%dma_start3A_10, %dma_start3A_11] : memref<384x128xf32, #tpu.memory_space<vmem>> -> memref<128x128xf32, #tpu.memory_space<vmem>>
    %dma_start3A_13 = arith.constant 128 : i32
    %dma_start3A_14 = tpu.memref_slice %arg5[%dma_start3A_13] : memref<1536xi32, #tpu.memory_space<vmem>> -> memref<128xi32, #tpu.memory_space<vmem>>
    %dma_start3A_15 = arith.constant 0 : i32
    %dma_start3A_16 = arith.constant 0 : i32
    %dma_start3A_17 = tpu.memref_slice %arg2[%dma_start3A_15, %dma_start3A_16] : memref<1000000x128xf32, #tpu.memory_space<hbm>> -> memref<1000000x128xf32, #tpu.memory_space<hbm>>
    tpu.enqueue_indirect_dma source(%dma_start3A_17 : memref<1000000x128xf32, #tpu.memory_space<hbm>>) target(%dma_start3A_12 : memref<128x128xf32, #tpu.memory_space<vmem>>) offsets(%dma_start3A_14 : memref<128xi32, #tpu.memory_space<vmem>>) semaphore(%arg8 : memref<!tpu.dma_semaphore, #tpu.memory_space<semaphore_mem>>)
    %dma_start3A_18 = arith.constant 256 : i32
    %dma_start3A_19 = arith.constant 0 : i32
    %dma_start3A_20 = tpu.memref_slice %arg6[%dma_start3A_18, %dma_start3A_19] : memref<384x128xf32, #tpu.memory_space<vmem>> -> memref<128x128xf32, #tpu.memory_space<vmem>>
    %dma_start3A_21 = arith.constant 256 : i32
    %dma_start3A_22 = tpu.memref_slice %arg5[%dma_start3A_21] : memref<1536xi32, #tpu.memory_space<vmem>> -> memref<128xi32, #tpu.memory_space<vmem>>
    %dma_start3A_23 = arith.constant 0 : i32
    %dma_start3A_24 = arith.constant 0 : i32
    %dma_start3A_25 = tpu.memref_slice %arg2[%dma_start3A_23, %dma_start3A_24] : memref<1000000x128xf32, #tpu.memory_space<hbm>> -> memref<1000000x128xf32, #tpu.memory_space<hbm>>
    tpu.enqueue_indirect_dma source(%dma_start3A_25 : memref<1000000x128xf32, #tpu.memory_space<hbm>>) target(%dma_start3A_20 : memref<128x128xf32, #tpu.memory_space<vmem>>) offsets(%dma_start3A_22 : memref<128xi32, #tpu.memory_space<vmem>>) semaphore(%arg8 : memref<!tpu.dma_semaphore, #tpu.memory_space<semaphore_mem>>)
    %dma_start3A_26 = arith.constant 0 : i32
    %dma_start3A_27 = arith.constant 0 : i32
    %dma_start3A_28 = tpu.memref_slice %arg7[%dma_start3A_26, %dma_start3A_27] : memref<384x128xf32, #tpu.memory_space<vmem>> -> memref<128x128xf32, #tpu.memory_space<vmem>>
    %dma_start3A_29 = arith.constant 384 : i32
    %dma_start3A_30 = tpu.memref_slice %arg5[%dma_start3A_29] : memref<1536xi32, #tpu.memory_space<vmem>> -> memref<128xi32, #tpu.memory_space<vmem>>
    %dma_start3A_31 = arith.constant 0 : i32
    %dma_start3A_32 = arith.constant 0 : i32
    %dma_start3A_33 = tpu.memref_slice %arg2[%dma_start3A_31, %dma_start3A_32] : memref<1000000x128xf32, #tpu.memory_space<hbm>> -> memref<1000000x128xf32, #tpu.memory_space<hbm>>
    tpu.enqueue_indirect_dma source(%dma_start3A_33 : memref<1000000x128xf32, #tpu.memory_space<hbm>>) target(%dma_start3A_28 : memref<128x128xf32, #tpu.memory_space<vmem>>) offsets(%dma_start3A_30 : memref<128xi32, #tpu.memory_space<vmem>>) semaphore(%arg9 : memref<!tpu.dma_semaphore, #tpu.memory_space<semaphore_mem>>)
    %dma_start3A_34 = arith.constant 128 : i32
    %dma_start3A_35 = arith.constant 0 : i32
    %dma_start3A_36 = tpu.memref_slice %arg7[%dma_start3A_34, %dma_start3A_35] : memref<384x128xf32, #tpu.memory_space<vmem>> -> memref<128x128xf32, #tpu.memory_space<vmem>>
    %dma_start3A_37 = arith.constant 512 : i32
    %dma_start3A_38 = tpu.memref_slice %arg5[%dma_start3A_37] : memref<1536xi32, #tpu.memory_space<vmem>> -> memref<128xi32, #tpu.memory_space<vmem>>
    %dma_start3A_39 = arith.constant 0 : i32
    %dma_start3A_40 = arith.constant 0 : i32
    %dma_start3A_41 = tpu.memref_slice %arg2[%dma_start3A_39, %dma_start3A_40] : memref<1000000x128xf32, #tpu.memory_space<hbm>> -> memref<1000000x128xf32, #tpu.memory_space<hbm>>
    tpu.enqueue_indirect_dma source(%dma_start3A_41 : memref<1000000x128xf32, #tpu.memory_space<hbm>>) target(%dma_start3A_36 : memref<128x128xf32, #tpu.memory_space<vmem>>) offsets(%dma_start3A_38 : memref<128xi32, #tpu.memory_space<vmem>>) semaphore(%arg9 : memref<!tpu.dma_semaphore, #tpu.memory_space<semaphore_mem>>)
    %dma_start3A_42 = arith.constant 256 : i32
    %dma_start3A_43 = arith.constant 0 : i32
    %dma_start3A_44 = tpu.memref_slice %arg7[%dma_start3A_42, %dma_start3A_43] : memref<384x128xf32, #tpu.memory_space<vmem>> -> memref<128x128xf32, #tpu.memory_space<vmem>>
    %dma_start3A_45 = arith.constant 640 : i32
    %dma_start3A_46 = tpu.memref_slice %arg5[%dma_start3A_45] : memref<1536xi32, #tpu.memory_space<vmem>> -> memref<128xi32, #tpu.memory_space<vmem>>
    %dma_start3A_47 = arith.constant 0 : i32
    %dma_start3A_48 = arith.constant 0 : i32
    %dma_start3A_49 = tpu.memref_slice %arg2[%dma_start3A_47, %dma_start3A_48] : memref<1000000x128xf32, #tpu.memory_space<hbm>> -> memref<1000000x128xf32, #tpu.memory_space<hbm>>
    tpu.enqueue_indirect_dma source(%dma_start3A_49 : memref<1000000x128xf32, #tpu.memory_space<hbm>>) target(%dma_start3A_44 : memref<128x128xf32, #tpu.memory_space<vmem>>) offsets(%dma_start3A_46 : memref<128xi32, #tpu.memory_space<vmem>>) semaphore(%arg9 : memref<!tpu.dma_semaphore, #tpu.memory_space<semaphore_mem>>)
    %dma_wait3A = arith.constant 0 : i32
    %dma_wait3A_50 = arith.constant 0 : i32
    %dma_wait3A_51 = tpu.memref_slice %arg6[%dma_wait3A, %dma_wait3A_50] : memref<384x128xf32, #tpu.memory_space<vmem>> -> memref<128x128xf32, #tpu.memory_space<vmem>>
    %dma_wait3A_52 = arith.constant 0 : i32
    %dma_wait3A_53 = tpu.memref_slice %arg5[%dma_wait3A_52] : memref<1536xi32, #tpu.memory_space<vmem>> -> memref<128xi32, #tpu.memory_space<vmem>>
    %dma_wait3A_54 = arith.constant 0 : i32
    %dma_wait3A_55 = arith.constant 0 : i32
    %dma_wait3A_56 = tpu.memref_slice %arg2[%dma_wait3A_54, %dma_wait3A_55] : memref<1000000x128xf32, #tpu.memory_space<hbm>> -> memref<1000000x128xf32, #tpu.memory_space<hbm>>
    tpu.wait_indirect_dma semaphore(%arg8 : memref<!tpu.dma_semaphore, #tpu.memory_space<semaphore_mem>>) src(%dma_wait3A_56 : memref<1000000x128xf32, #tpu.memory_space<hbm>>) dst(%dma_wait3A_51 : memref<128x128xf32, #tpu.memory_space<vmem>>)
    %dma_wait3A_57 = arith.constant 128 : i32
    %dma_wait3A_58 = arith.constant 0 : i32
    %dma_wait3A_59 = tpu.memref_slice %arg6[%dma_wait3A_57, %dma_wait3A_58] : memref<384x128xf32, #tpu.memory_space<vmem>> -> memref<128x128xf32, #tpu.memory_space<vmem>>
    %dma_wait3A_60 = arith.constant 128 : i32
    %dma_wait3A_61 = tpu.memref_slice %arg5[%dma_wait3A_60] : memref<1536xi32, #tpu.memory_space<vmem>> -> memref<128xi32, #tpu.memory_space<vmem>>
    %dma_wait3A_62 = arith.constant 0 : i32
    %dma_wait3A_63 = arith.constant 0 : i32
    %dma_wait3A_64 = tpu.memref_slice %arg2[%dma_wait3A_62, %dma_wait3A_63] : memref<1000000x128xf32, #tpu.memory_space<hbm>> -> memref<1000000x128xf32, #tpu.memory_space<hbm>>
    tpu.wait_indirect_dma semaphore(%arg8 : memref<!tpu.dma_semaphore, #tpu.memory_space<semaphore_mem>>) src(%dma_wait3A_64 : memref<1000000x128xf32, #tpu.memory_space<hbm>>) dst(%dma_wait3A_59 : memref<128x128xf32, #tpu.memory_space<vmem>>)
    %dma_wait3A_65 = arith.constant 256 : i32
    %dma_wait3A_66 = arith.constant 0 : i32
    %dma_wait3A_67 = tpu.memref_slice %arg6[%dma_wait3A_65, %dma_wait3A_66] : memref<384x128xf32, #tpu.memory_space<vmem>> -> memref<128x128xf32, #tpu.memory_space<vmem>>
    %dma_wait3A_68 = arith.constant 256 : i32
    %dma_wait3A_69 = tpu.memref_slice %arg5[%dma_wait3A_68] : memref<1536xi32, #tpu.memory_space<vmem>> -> memref<128xi32, #tpu.memory_space<vmem>>
    %dma_wait3A_70 = arith.constant 0 : i32
    %dma_wait3A_71 = arith.constant 0 : i32
    %dma_wait3A_72 = tpu.memref_slice %arg2[%dma_wait3A_70, %dma_wait3A_71] : memref<1000000x128xf32, #tpu.memory_space<hbm>> -> memref<1000000x128xf32, #tpu.memory_space<hbm>>
    tpu.wait_indirect_dma semaphore(%arg8 : memref<!tpu.dma_semaphore, #tpu.memory_space<semaphore_mem>>) src(%dma_wait3A_72 : memref<1000000x128xf32, #tpu.memory_space<hbm>>) dst(%dma_wait3A_67 : memref<128x128xf32, #tpu.memory_space<vmem>>)
    %add3A_73 = arith.constant 0 : i32
    %add3A_74 = arith.addi %mul3A_2, %add3A_73 : i32
    "tpu.region"() ({
      %run_scoped3A = tpu.sem_alloc : memref<!tpu.dma_semaphore, #tpu.memory_space<semaphore_mem>>
      %dma_start3A_201 = arith.constant 0 : i32
      %dma_start3A_202 = tpu.memref_slice %arg4[%add3A_74, %dma_start3A_201] : memref<49152x128xf32, #tpu.memory_space<hbm>> -> memref<384x128xf32, #tpu.memory_space<hbm>>
      %dma_start3A_203 = arith.constant 0 : i32
      %dma_start3A_204 = tpu.memref_slice %arg4[%add3A_74, %dma_start3A_203] : memref<49152x128xf32, #tpu.memory_space<hbm>> -> memref<384x128xf32, #tpu.memory_space<hbm>>
      tpu.enqueue_dma source(%arg6 : memref<384x128xf32, #tpu.memory_space<vmem>>) target(%dma_start3A_204 : memref<384x128xf32, #tpu.memory_space<hbm>>) target_semaphore(%run_scoped3A : memref<!tpu.dma_semaphore, #tpu.memory_space<semaphore_mem>>)
      %dma_wait3A_205 = arith.constant 0 : i32
      %dma_wait3A_206 = tpu.memref_slice %arg4[%add3A_74, %dma_wait3A_205] : memref<49152x128xf32, #tpu.memory_space<hbm>> -> memref<384x128xf32, #tpu.memory_space<hbm>>
      %dma_wait3A_207 = arith.constant 0 : i32
      %dma_wait3A_208 = tpu.memref_slice %arg4[%add3A_74, %dma_wait3A_207] : memref<49152x128xf32, #tpu.memory_space<hbm>> -> memref<384x128xf32, #tpu.memory_space<hbm>>
      tpu.wait_dma2 semaphore(%run_scoped3A : memref<!tpu.dma_semaphore, #tpu.memory_space<semaphore_mem>>) src(%arg6 : memref<384x128xf32, #tpu.memory_space<vmem>>) dst(%dma_wait3A_208 : memref<384x128xf32, #tpu.memory_space<hbm>>)
      tpu.yield
    }) : () -> ()
    %dma_start3A_75 = arith.constant 0 : i32
    %dma_start3A_76 = arith.constant 0 : i32
    %dma_start3A_77 = tpu.memref_slice %arg6[%dma_start3A_75, %dma_start3A_76] : memref<384x128xf32, #tpu.memory_space<vmem>> -> memref<128x128xf32, #tpu.memory_space<vmem>>
    %dma_start3A_78 = arith.constant 768 : i32
    %dma_start3A_79 = tpu.memref_slice %arg5[%dma_start3A_78] : memref<1536xi32, #tpu.memory_space<vmem>> -> memref<128xi32, #tpu.memory_space<vmem>>
    %dma_start3A_80 = arith.constant 0 : i32
    %dma_start3A_81 = arith.constant 0 : i32
    %dma_start3A_82 = tpu.memref_slice %arg2[%dma_start3A_80, %dma_start3A_81] : memref<1000000x128xf32, #tpu.memory_space<hbm>> -> memref<1000000x128xf32, #tpu.memory_space<hbm>>
    tpu.enqueue_indirect_dma source(%dma_start3A_82 : memref<1000000x128xf32, #tpu.memory_space<hbm>>) target(%dma_start3A_77 : memref<128x128xf32, #tpu.memory_space<vmem>>) offsets(%dma_start3A_79 : memref<128xi32, #tpu.memory_space<vmem>>) semaphore(%arg8 : memref<!tpu.dma_semaphore, #tpu.memory_space<semaphore_mem>>)
    %dma_start3A_83 = arith.constant 128 : i32
    %dma_start3A_84 = arith.constant 0 : i32
    %dma_start3A_85 = tpu.memref_slice %arg6[%dma_start3A_83, %dma_start3A_84] : memref<384x128xf32, #tpu.memory_space<vmem>> -> memref<128x128xf32, #tpu.memory_space<vmem>>
    %dma_start3A_86 = arith.constant 896 : i32
    %dma_start3A_87 = tpu.memref_slice %arg5[%dma_start3A_86] : memref<1536xi32, #tpu.memory_space<vmem>> -> memref<128xi32, #tpu.memory_space<vmem>>
    %dma_start3A_88 = arith.constant 0 : i32
    %dma_start3A_89 = arith.constant 0 : i32
    %dma_start3A_90 = tpu.memref_slice %arg2[%dma_start3A_88, %dma_start3A_89] : memref<1000000x128xf32, #tpu.memory_space<hbm>> -> memref<1000000x128xf32, #tpu.memory_space<hbm>>
    tpu.enqueue_indirect_dma source(%dma_start3A_90 : memref<1000000x128xf32, #tpu.memory_space<hbm>>) target(%dma_start3A_85 : memref<128x128xf32, #tpu.memory_space<vmem>>) offsets(%dma_start3A_87 : memref<128xi32, #tpu.memory_space<vmem>>) semaphore(%arg8 : memref<!tpu.dma_semaphore, #tpu.memory_space<semaphore_mem>>)
    %dma_start3A_91 = arith.constant 256 : i32
    %dma_start3A_92 = arith.constant 0 : i32
    %dma_start3A_93 = tpu.memref_slice %arg6[%dma_start3A_91, %dma_start3A_92] : memref<384x128xf32, #tpu.memory_space<vmem>> -> memref<128x128xf32, #tpu.memory_space<vmem>>
    %dma_start3A_94 = arith.constant 1024 : i32
    %dma_start3A_95 = tpu.memref_slice %arg5[%dma_start3A_94] : memref<1536xi32, #tpu.memory_space<vmem>> -> memref<128xi32, #tpu.memory_space<vmem>>
    %dma_start3A_96 = arith.constant 0 : i32
    %dma_start3A_97 = arith.constant 0 : i32
    %dma_start3A_98 = tpu.memref_slice %arg2[%dma_start3A_96, %dma_start3A_97] : memref<1000000x128xf32, #tpu.memory_space<hbm>> -> memref<1000000x128xf32, #tpu.memory_space<hbm>>
    tpu.enqueue_indirect_dma source(%dma_start3A_98 : memref<1000000x128xf32, #tpu.memory_space<hbm>>) target(%dma_start3A_93 : memref<128x128xf32, #tpu.memory_space<vmem>>) offsets(%dma_start3A_95 : memref<128xi32, #tpu.memory_space<vmem>>) semaphore(%arg8 : memref<!tpu.dma_semaphore, #tpu.memory_space<semaphore_mem>>)
    %dma_wait3A_99 = arith.constant 0 : i32
    %dma_wait3A_100 = arith.constant 0 : i32
    %dma_wait3A_101 = tpu.memref_slice %arg7[%dma_wait3A_99, %dma_wait3A_100] : memref<384x128xf32, #tpu.memory_space<vmem>> -> memref<128x128xf32, #tpu.memory_space<vmem>>
    %dma_wait3A_102 = arith.constant 384 : i32
    %dma_wait3A_103 = tpu.memref_slice %arg5[%dma_wait3A_102] : memref<1536xi32, #tpu.memory_space<vmem>> -> memref<128xi32, #tpu.memory_space<vmem>>
    %dma_wait3A_104 = arith.constant 0 : i32
    %dma_wait3A_105 = arith.constant 0 : i32
    %dma_wait3A_106 = tpu.memref_slice %arg2[%dma_wait3A_104, %dma_wait3A_105] : memref<1000000x128xf32, #tpu.memory_space<hbm>> -> memref<1000000x128xf32, #tpu.memory_space<hbm>>
    tpu.wait_indirect_dma semaphore(%arg9 : memref<!tpu.dma_semaphore, #tpu.memory_space<semaphore_mem>>) src(%dma_wait3A_106 : memref<1000000x128xf32, #tpu.memory_space<hbm>>) dst(%dma_wait3A_101 : memref<128x128xf32, #tpu.memory_space<vmem>>)
    %dma_wait3A_107 = arith.constant 128 : i32
    %dma_wait3A_108 = arith.constant 0 : i32
    %dma_wait3A_109 = tpu.memref_slice %arg7[%dma_wait3A_107, %dma_wait3A_108] : memref<384x128xf32, #tpu.memory_space<vmem>> -> memref<128x128xf32, #tpu.memory_space<vmem>>
    %dma_wait3A_110 = arith.constant 512 : i32
    %dma_wait3A_111 = tpu.memref_slice %arg5[%dma_wait3A_110] : memref<1536xi32, #tpu.memory_space<vmem>> -> memref<128xi32, #tpu.memory_space<vmem>>
    %dma_wait3A_112 = arith.constant 0 : i32
    %dma_wait3A_113 = arith.constant 0 : i32
    %dma_wait3A_114 = tpu.memref_slice %arg2[%dma_wait3A_112, %dma_wait3A_113] : memref<1000000x128xf32, #tpu.memory_space<hbm>> -> memref<1000000x128xf32, #tpu.memory_space<hbm>>
    tpu.wait_indirect_dma semaphore(%arg9 : memref<!tpu.dma_semaphore, #tpu.memory_space<semaphore_mem>>) src(%dma_wait3A_114 : memref<1000000x128xf32, #tpu.memory_space<hbm>>) dst(%dma_wait3A_109 : memref<128x128xf32, #tpu.memory_space<vmem>>)
    %dma_wait3A_115 = arith.constant 256 : i32
    %dma_wait3A_116 = arith.constant 0 : i32
    %dma_wait3A_117 = tpu.memref_slice %arg7[%dma_wait3A_115, %dma_wait3A_116] : memref<384x128xf32, #tpu.memory_space<vmem>> -> memref<128x128xf32, #tpu.memory_space<vmem>>
    %dma_wait3A_118 = arith.constant 640 : i32
    %dma_wait3A_119 = tpu.memref_slice %arg5[%dma_wait3A_118] : memref<1536xi32, #tpu.memory_space<vmem>> -> memref<128xi32, #tpu.memory_space<vmem>>
    %dma_wait3A_120 = arith.constant 0 : i32
    %dma_wait3A_121 = arith.constant 0 : i32
    %dma_wait3A_122 = tpu.memref_slice %arg2[%dma_wait3A_120, %dma_wait3A_121] : memref<1000000x128xf32, #tpu.memory_space<hbm>> -> memref<1000000x128xf32, #tpu.memory_space<hbm>>
    tpu.wait_indirect_dma semaphore(%arg9 : memref<!tpu.dma_semaphore, #tpu.memory_space<semaphore_mem>>) src(%dma_wait3A_122 : memref<1000000x128xf32, #tpu.memory_space<hbm>>) dst(%dma_wait3A_117 : memref<128x128xf32, #tpu.memory_space<vmem>>)
    %add3A_123 = arith.constant 384 : i32
    %add3A_124 = arith.addi %mul3A_2, %add3A_123 : i32
    "tpu.region"() ({
      %run_scoped3A = tpu.sem_alloc : memref<!tpu.dma_semaphore, #tpu.memory_space<semaphore_mem>>
      %dma_start3A_201 = arith.constant 0 : i32
      %dma_start3A_202 = tpu.memref_slice %arg4[%add3A_124, %dma_start3A_201] : memref<49152x128xf32, #tpu.memory_space<hbm>> -> memref<384x128xf32, #tpu.memory_space<hbm>>
      %dma_start3A_203 = arith.constant 0 : i32
      %dma_start3A_204 = tpu.memref_slice %arg4[%add3A_124, %dma_start3A_203] : memref<49152x128xf32, #tpu.memory_space<hbm>> -> memref<384x128xf32, #tpu.memory_space<hbm>>
      tpu.enqueue_dma source(%arg7 : memref<384x128xf32, #tpu.memory_space<vmem>>) target(%dma_start3A_204 : memref<384x128xf32, #tpu.memory_space<hbm>>) target_semaphore(%run_scoped3A : memref<!tpu.dma_semaphore, #tpu.memory_space<semaphore_mem>>)
      %dma_wait3A_205 = arith.constant 0 : i32
      %dma_wait3A_206 = tpu.memref_slice %arg4[%add3A_124, %dma_wait3A_205] : memref<49152x128xf32, #tpu.memory_space<hbm>> -> memref<384x128xf32, #tpu.memory_space<hbm>>
      %dma_wait3A_207 = arith.constant 0 : i32
      %dma_wait3A_208 = tpu.memref_slice %arg4[%add3A_124, %dma_wait3A_207] : memref<49152x128xf32, #tpu.memory_space<hbm>> -> memref<384x128xf32, #tpu.memory_space<hbm>>
      tpu.wait_dma2 semaphore(%run_scoped3A : memref<!tpu.dma_semaphore, #tpu.memory_space<semaphore_mem>>) src(%arg7 : memref<384x128xf32, #tpu.memory_space<vmem>>) dst(%dma_wait3A_208 : memref<384x128xf32, #tpu.memory_space<hbm>>)
      tpu.yield
    }) : () -> ()
    %dma_start3A_125 = arith.constant 0 : i32
    %dma_start3A_126 = arith.constant 0 : i32
    %dma_start3A_127 = tpu.memref_slice %arg7[%dma_start3A_125, %dma_start3A_126] : memref<384x128xf32, #tpu.memory_space<vmem>> -> memref<128x128xf32, #tpu.memory_space<vmem>>
    %dma_start3A_128 = arith.constant 1152 : i32
    %dma_start3A_129 = tpu.memref_slice %arg5[%dma_start3A_128] : memref<1536xi32, #tpu.memory_space<vmem>> -> memref<128xi32, #tpu.memory_space<vmem>>
    %dma_start3A_130 = arith.constant 0 : i32
    %dma_start3A_131 = arith.constant 0 : i32
    %dma_start3A_132 = tpu.memref_slice %arg2[%dma_start3A_130, %dma_start3A_131] : memref<1000000x128xf32, #tpu.memory_space<hbm>> -> memref<1000000x128xf32, #tpu.memory_space<hbm>>
    tpu.enqueue_indirect_dma source(%dma_start3A_132 : memref<1000000x128xf32, #tpu.memory_space<hbm>>) target(%dma_start3A_127 : memref<128x128xf32, #tpu.memory_space<vmem>>) offsets(%dma_start3A_129 : memref<128xi32, #tpu.memory_space<vmem>>) semaphore(%arg9 : memref<!tpu.dma_semaphore, #tpu.memory_space<semaphore_mem>>)
    %dma_start3A_133 = arith.constant 128 : i32
    %dma_start3A_134 = arith.constant 0 : i32
    %dma_start3A_135 = tpu.memref_slice %arg7[%dma_start3A_133, %dma_start3A_134] : memref<384x128xf32, #tpu.memory_space<vmem>> -> memref<128x128xf32, #tpu.memory_space<vmem>>
    %dma_start3A_136 = arith.constant 1280 : i32
    %dma_start3A_137 = tpu.memref_slice %arg5[%dma_start3A_136] : memref<1536xi32, #tpu.memory_space<vmem>> -> memref<128xi32, #tpu.memory_space<vmem>>
    %dma_start3A_138 = arith.constant 0 : i32
    %dma_start3A_139 = arith.constant 0 : i32
    %dma_start3A_140 = tpu.memref_slice %arg2[%dma_start3A_138, %dma_start3A_139] : memref<1000000x128xf32, #tpu.memory_space<hbm>> -> memref<1000000x128xf32, #tpu.memory_space<hbm>>
    tpu.enqueue_indirect_dma source(%dma_start3A_140 : memref<1000000x128xf32, #tpu.memory_space<hbm>>) target(%dma_start3A_135 : memref<128x128xf32, #tpu.memory_space<vmem>>) offsets(%dma_start3A_137 : memref<128xi32, #tpu.memory_space<vmem>>) semaphore(%arg9 : memref<!tpu.dma_semaphore, #tpu.memory_space<semaphore_mem>>)
    %dma_start3A_141 = arith.constant 256 : i32
    %dma_start3A_142 = arith.constant 0 : i32
    %dma_start3A_143 = tpu.memref_slice %arg7[%dma_start3A_141, %dma_start3A_142] : memref<384x128xf32, #tpu.memory_space<vmem>> -> memref<128x128xf32, #tpu.memory_space<vmem>>
    %dma_start3A_144 = arith.constant 1408 : i32
    %dma_start3A_145 = tpu.memref_slice %arg5[%dma_start3A_144] : memref<1536xi32, #tpu.memory_space<vmem>> -> memref<128xi32, #tpu.memory_space<vmem>>
    %dma_start3A_146 = arith.constant 0 : i32
    %dma_start3A_147 = arith.constant 0 : i32
    %dma_start3A_148 = tpu.memref_slice %arg2[%dma_start3A_146, %dma_start3A_147] : memref<1000000x128xf32, #tpu.memory_space<hbm>> -> memref<1000000x128xf32, #tpu.memory_space<hbm>>
    tpu.enqueue_indirect_dma source(%dma_start3A_148 : memref<1000000x128xf32, #tpu.memory_space<hbm>>) target(%dma_start3A_143 : memref<128x128xf32, #tpu.memory_space<vmem>>) offsets(%dma_start3A_145 : memref<128xi32, #tpu.memory_space<vmem>>) semaphore(%arg9 : memref<!tpu.dma_semaphore, #tpu.memory_space<semaphore_mem>>)
    %dma_wait3A_149 = arith.constant 0 : i32
    %dma_wait3A_150 = arith.constant 0 : i32
    %dma_wait3A_151 = tpu.memref_slice %arg6[%dma_wait3A_149, %dma_wait3A_150] : memref<384x128xf32, #tpu.memory_space<vmem>> -> memref<128x128xf32, #tpu.memory_space<vmem>>
    %dma_wait3A_152 = arith.constant 768 : i32
    %dma_wait3A_153 = tpu.memref_slice %arg5[%dma_wait3A_152] : memref<1536xi32, #tpu.memory_space<vmem>> -> memref<128xi32, #tpu.memory_space<vmem>>
    %dma_wait3A_154 = arith.constant 0 : i32
    %dma_wait3A_155 = arith.constant 0 : i32
    %dma_wait3A_156 = tpu.memref_slice %arg2[%dma_wait3A_154, %dma_wait3A_155] : memref<1000000x128xf32, #tpu.memory_space<hbm>> -> memref<1000000x128xf32, #tpu.memory_space<hbm>>
    tpu.wait_indirect_dma semaphore(%arg8 : memref<!tpu.dma_semaphore, #tpu.memory_space<semaphore_mem>>) src(%dma_wait3A_156 : memref<1000000x128xf32, #tpu.memory_space<hbm>>) dst(%dma_wait3A_151 : memref<128x128xf32, #tpu.memory_space<vmem>>)
    %dma_wait3A_157 = arith.constant 128 : i32
    %dma_wait3A_158 = arith.constant 0 : i32
    %dma_wait3A_159 = tpu.memref_slice %arg6[%dma_wait3A_157, %dma_wait3A_158] : memref<384x128xf32, #tpu.memory_space<vmem>> -> memref<128x128xf32, #tpu.memory_space<vmem>>
    %dma_wait3A_160 = arith.constant 896 : i32
    %dma_wait3A_161 = tpu.memref_slice %arg5[%dma_wait3A_160] : memref<1536xi32, #tpu.memory_space<vmem>> -> memref<128xi32, #tpu.memory_space<vmem>>
    %dma_wait3A_162 = arith.constant 0 : i32
    %dma_wait3A_163 = arith.constant 0 : i32
    %dma_wait3A_164 = tpu.memref_slice %arg2[%dma_wait3A_162, %dma_wait3A_163] : memref<1000000x128xf32, #tpu.memory_space<hbm>> -> memref<1000000x128xf32, #tpu.memory_space<hbm>>
    tpu.wait_indirect_dma semaphore(%arg8 : memref<!tpu.dma_semaphore, #tpu.memory_space<semaphore_mem>>) src(%dma_wait3A_164 : memref<1000000x128xf32, #tpu.memory_space<hbm>>) dst(%dma_wait3A_159 : memref<128x128xf32, #tpu.memory_space<vmem>>)
    %dma_wait3A_165 = arith.constant 256 : i32
    %dma_wait3A_166 = arith.constant 0 : i32
    %dma_wait3A_167 = tpu.memref_slice %arg6[%dma_wait3A_165, %dma_wait3A_166] : memref<384x128xf32, #tpu.memory_space<vmem>> -> memref<128x128xf32, #tpu.memory_space<vmem>>
    %dma_wait3A_168 = arith.constant 1024 : i32
    %dma_wait3A_169 = tpu.memref_slice %arg5[%dma_wait3A_168] : memref<1536xi32, #tpu.memory_space<vmem>> -> memref<128xi32, #tpu.memory_space<vmem>>
    %dma_wait3A_170 = arith.constant 0 : i32
    %dma_wait3A_171 = arith.constant 0 : i32
    %dma_wait3A_172 = tpu.memref_slice %arg2[%dma_wait3A_170, %dma_wait3A_171] : memref<1000000x128xf32, #tpu.memory_space<hbm>> -> memref<1000000x128xf32, #tpu.memory_space<hbm>>
    tpu.wait_indirect_dma semaphore(%arg8 : memref<!tpu.dma_semaphore, #tpu.memory_space<semaphore_mem>>) src(%dma_wait3A_172 : memref<1000000x128xf32, #tpu.memory_space<hbm>>) dst(%dma_wait3A_167 : memref<128x128xf32, #tpu.memory_space<vmem>>)
    %add3A_173 = arith.constant 768 : i32
    %add3A_174 = arith.addi %mul3A_2, %add3A_173 : i32
    "tpu.region"() ({
      %run_scoped3A = tpu.sem_alloc : memref<!tpu.dma_semaphore, #tpu.memory_space<semaphore_mem>>
      %dma_start3A_201 = arith.constant 0 : i32
      %dma_start3A_202 = tpu.memref_slice %arg4[%add3A_174, %dma_start3A_201] : memref<49152x128xf32, #tpu.memory_space<hbm>> -> memref<384x128xf32, #tpu.memory_space<hbm>>
      %dma_start3A_203 = arith.constant 0 : i32
      %dma_start3A_204 = tpu.memref_slice %arg4[%add3A_174, %dma_start3A_203] : memref<49152x128xf32, #tpu.memory_space<hbm>> -> memref<384x128xf32, #tpu.memory_space<hbm>>
      tpu.enqueue_dma source(%arg6 : memref<384x128xf32, #tpu.memory_space<vmem>>) target(%dma_start3A_204 : memref<384x128xf32, #tpu.memory_space<hbm>>) target_semaphore(%run_scoped3A : memref<!tpu.dma_semaphore, #tpu.memory_space<semaphore_mem>>)
      %dma_wait3A_205 = arith.constant 0 : i32
      %dma_wait3A_206 = tpu.memref_slice %arg4[%add3A_174, %dma_wait3A_205] : memref<49152x128xf32, #tpu.memory_space<hbm>> -> memref<384x128xf32, #tpu.memory_space<hbm>>
      %dma_wait3A_207 = arith.constant 0 : i32
      %dma_wait3A_208 = tpu.memref_slice %arg4[%add3A_174, %dma_wait3A_207] : memref<49152x128xf32, #tpu.memory_space<hbm>> -> memref<384x128xf32, #tpu.memory_space<hbm>>
      tpu.wait_dma2 semaphore(%run_scoped3A : memref<!tpu.dma_semaphore, #tpu.memory_space<semaphore_mem>>) src(%arg6 : memref<384x128xf32, #tpu.memory_space<vmem>>) dst(%dma_wait3A_208 : memref<384x128xf32, #tpu.memory_space<hbm>>)
      tpu.yield
    }) : () -> ()
    %dma_wait3A_175 = arith.constant 0 : i32
    %dma_wait3A_176 = arith.constant 0 : i32
    %dma_wait3A_177 = tpu.memref_slice %arg7[%dma_wait3A_175, %dma_wait3A_176] : memref<384x128xf32, #tpu.memory_space<vmem>> -> memref<128x128xf32, #tpu.memory_space<vmem>>
    %dma_wait3A_178 = arith.constant 1152 : i32
    %dma_wait3A_179 = tpu.memref_slice %arg5[%dma_wait3A_178] : memref<1536xi32, #tpu.memory_space<vmem>> -> memref<128xi32, #tpu.memory_space<vmem>>
    %dma_wait3A_180 = arith.constant 0 : i32
    %dma_wait3A_181 = arith.constant 0 : i32
    %dma_wait3A_182 = tpu.memref_slice %arg2[%dma_wait3A_180, %dma_wait3A_181] : memref<1000000x128xf32, #tpu.memory_space<hbm>> -> memref<1000000x128xf32, #tpu.memory_space<hbm>>
    tpu.wait_indirect_dma semaphore(%arg9 : memref<!tpu.dma_semaphore, #tpu.memory_space<semaphore_mem>>) src(%dma_wait3A_182 : memref<1000000x128xf32, #tpu.memory_space<hbm>>) dst(%dma_wait3A_177 : memref<128x128xf32, #tpu.memory_space<vmem>>)
    %dma_wait3A_183 = arith.constant 128 : i32
    %dma_wait3A_184 = arith.constant 0 : i32
    %dma_wait3A_185 = tpu.memref_slice %arg7[%dma_wait3A_183, %dma_wait3A_184] : memref<384x128xf32, #tpu.memory_space<vmem>> -> memref<128x128xf32, #tpu.memory_space<vmem>>
    %dma_wait3A_186 = arith.constant 1280 : i32
    %dma_wait3A_187 = tpu.memref_slice %arg5[%dma_wait3A_186] : memref<1536xi32, #tpu.memory_space<vmem>> -> memref<128xi32, #tpu.memory_space<vmem>>
    %dma_wait3A_188 = arith.constant 0 : i32
    %dma_wait3A_189 = arith.constant 0 : i32
    %dma_wait3A_190 = tpu.memref_slice %arg2[%dma_wait3A_188, %dma_wait3A_189] : memref<1000000x128xf32, #tpu.memory_space<hbm>> -> memref<1000000x128xf32, #tpu.memory_space<hbm>>
    tpu.wait_indirect_dma semaphore(%arg9 : memref<!tpu.dma_semaphore, #tpu.memory_space<semaphore_mem>>) src(%dma_wait3A_190 : memref<1000000x128xf32, #tpu.memory_space<hbm>>) dst(%dma_wait3A_185 : memref<128x128xf32, #tpu.memory_space<vmem>>)
    %dma_wait3A_191 = arith.constant 256 : i32
    %dma_wait3A_192 = arith.constant 0 : i32
    %dma_wait3A_193 = tpu.memref_slice %arg7[%dma_wait3A_191, %dma_wait3A_192] : memref<384x128xf32, #tpu.memory_space<vmem>> -> memref<128x128xf32, #tpu.memory_space<vmem>>
    %dma_wait3A_194 = arith.constant 1408 : i32
    %dma_wait3A_195 = tpu.memref_slice %arg5[%dma_wait3A_194] : memref<1536xi32, #tpu.memory_space<vmem>> -> memref<128xi32, #tpu.memory_space<vmem>>
    %dma_wait3A_196 = arith.constant 0 : i32
    %dma_wait3A_197 = arith.constant 0 : i32
    %dma_wait3A_198 = tpu.memref_slice %arg2[%dma_wait3A_196, %dma_wait3A_197] : memref<1000000x128xf32, #tpu.memory_space<hbm>> -> memref<1000000x128xf32, #tpu.memory_space<hbm>>
    tpu.wait_indirect_dma semaphore(%arg9 : memref<!tpu.dma_semaphore, #tpu.memory_space<semaphore_mem>>) src(%dma_wait3A_198 : memref<1000000x128xf32, #tpu.memory_space<hbm>>) dst(%dma_wait3A_193 : memref<128x128xf32, #tpu.memory_space<vmem>>)
    %add3A_199 = arith.constant 1152 : i32
    %add3A_200 = arith.addi %mul3A_2, %add3A_199 : i32
    "tpu.region"() ({
      %run_scoped3A = tpu.sem_alloc : memref<!tpu.dma_semaphore, #tpu.memory_space<semaphore_mem>>
      %dma_start3A_201 = arith.constant 0 : i32
      %dma_start3A_202 = tpu.memref_slice %arg4[%add3A_200, %dma_start3A_201] : memref<49152x128xf32, #tpu.memory_space<hbm>> -> memref<384x128xf32, #tpu.memory_space<hbm>>
      %dma_start3A_203 = arith.constant 0 : i32
      %dma_start3A_204 = tpu.memref_slice %arg4[%add3A_200, %dma_start3A_203] : memref<49152x128xf32, #tpu.memory_space<hbm>> -> memref<384x128xf32, #tpu.memory_space<hbm>>
      tpu.enqueue_dma source(%arg7 : memref<384x128xf32, #tpu.memory_space<vmem>>) target(%dma_start3A_204 : memref<384x128xf32, #tpu.memory_space<hbm>>) target_semaphore(%run_scoped3A : memref<!tpu.dma_semaphore, #tpu.memory_space<semaphore_mem>>)
      %dma_wait3A_205 = arith.constant 0 : i32
      %dma_wait3A_206 = tpu.memref_slice %arg4[%add3A_200, %dma_wait3A_205] : memref<49152x128xf32, #tpu.memory_space<hbm>> -> memref<384x128xf32, #tpu.memory_space<hbm>>
      %dma_wait3A_207 = arith.constant 0 : i32
      %dma_wait3A_208 = tpu.memref_slice %arg4[%add3A_200, %dma_wait3A_207] : memref<49152x128xf32, #tpu.memory_space<hbm>> -> memref<384x128xf32, #tpu.memory_space<hbm>>
      tpu.wait_dma2 semaphore(%run_scoped3A : memref<!tpu.dma_semaphore, #tpu.memory_space<semaphore_mem>>) src(%arg7 : memref<384x128xf32, #tpu.memory_space<vmem>>) dst(%dma_wait3A_208 : memref<384x128xf32, #tpu.memory_space<hbm>>)
      tpu.yield
    }) : () -> ()
    return
  }
}

module attributes {stable_mosaic.version = 14 : i64} {
  func.func @body(%arg0: i32, %arg1: memref<1024x1xi32, #tpu.memory_space<vmem>>, %arg2: memref<1024x128xf32, #tpu.memory_space<vmem>>, %arg3: memref<1024x128xf32, #tpu.memory_space<vmem>>, %arg4: memref<1024x128xf32, #tpu.memory_space<vmem>>, %arg5: memref<2048x64xf32, #tpu.memory_space<vmem>>, %arg6: memref<32x64xf32, #tpu.memory_space<vmem>>, %arg7: memref<1024x64xf32, #tpu.memory_space<vmem>>, %arg8: memref<1024x64xf32, #tpu.memory_space<vmem>>, %arg9: memref<1024x64xf32, #tpu.memory_space<vmem>>, %arg10: memref<1024x64xf32, #tpu.memory_space<vmem>>) attributes {dimension_semantics = [#tpu.dimension_semantics<arbitrary>], iteration_bounds = array<i64: 16>, scalar_prefetch = 0 : i64, scratch_operands = 0 : i64, tpu.core_type = #tpu.core_type<tc>, window_params = [{transform_indices = @transform_0, window_bounds = array<i64: 1024, 1>}, {transform_indices = @transform_1, window_bounds = array<i64: 1024, 128>}, {transform_indices = @transform_2, window_bounds = array<i64: 1024, 128>}, {transform_indices = @transform_3, window_bounds = array<i64: 1024, 128>}, {pipeline_mode = #tpu.pipeline_mode<synchronous>, transform_indices = @transform_4, window_bounds = array<i64: 2048, 64>}, {pipeline_mode = #tpu.pipeline_mode<synchronous>, transform_indices = @transform_5, window_bounds = array<i64: 32, 64>}, {transform_indices = @transform_6, window_bounds = array<i64: 1024, 64>}, {transform_indices = @transform_7, window_bounds = array<i64: 1024, 64>}, {transform_indices = @transform_8, window_bounds = array<i64: 1024, 64>}, {transform_indices = @transform_9, window_bounds = array<i64: 1024, 64>}]} {
    %get3A = arith.constant 0 : index
    %get3A_0 = arith.constant 0 : index
    %get3A_1 = vector.load %arg1[%get3A, %get3A_0] : memref<1024x1xi32, #tpu.memory_space<vmem>>, vector<1024x1xi32>
    %iota3A = tpu.iota {dimensions = array<i32: 1>} : vector<1024x2048xi32>
    %shift_right_arithmetic3A = arith.constant 6 : i32
    %shift_right_arithmetic3A_2 = vector.broadcast %shift_right_arithmetic3A : i32 to vector<1024x2048xi32>
    %shift_right_arithmetic3A_3 = arith.shrsi %iota3A, %shift_right_arithmetic3A_2 : vector<1024x2048xi32>
    %eq3A = vector.broadcast %get3A_1 : vector<1024x1xi32> to vector<1024x2048xi32>
    %eq3A_4 = arith.cmpi eq, %shift_right_arithmetic3A_3, %eq3A : vector<1024x2048xi32>
    %get3A_5 = arith.constant 0 : index
    %get3A_6 = arith.constant 0 : index
    %get3A_7 = vector.load %arg5[%get3A_5, %get3A_6] : memref<2048x64xf32, #tpu.memory_space<vmem>>, vector<2048x64xf32>
    %get3A_8 = arith.constant 0 : index
    %get3A_9 = arith.constant 0 : index
    %get3A_10 = vector.load %arg2[%get3A_8, %get3A_9] : memref<1024x128xf32, #tpu.memory_space<vmem>>, vector<1024x128xf32>
    %slice3A = vector.extract_strided_slice %get3A_10 {offsets = [0, 0], sizes = [1024, 64], strides = [1, 1]} : vector<1024x128xf32> to vector<1024x64xf32>
    %concatenate3A = tpu.concatenate %slice3A, %slice3A, %slice3A, %slice3A, %slice3A, %slice3A, %slice3A, %slice3A, %slice3A, %slice3A, %slice3A, %slice3A, %slice3A, %slice3A, %slice3A, %slice3A, %slice3A, %slice3A, %slice3A, %slice3A, %slice3A, %slice3A, %slice3A, %slice3A, %slice3A, %slice3A, %slice3A, %slice3A, %slice3A, %slice3A, %slice3A, %slice3A in 1 : vector<1024x64xf32>, vector<1024x64xf32>, vector<1024x64xf32>, vector<1024x64xf32>, vector<1024x64xf32>, vector<1024x64xf32>, vector<1024x64xf32>, vector<1024x64xf32>, vector<1024x64xf32>, vector<1024x64xf32>, vector<1024x64xf32>, vector<1024x64xf32>, vector<1024x64xf32>, vector<1024x64xf32>, vector<1024x64xf32>, vector<1024x64xf32>, vector<1024x64xf32>, vector<1024x64xf32>, vector<1024x64xf32>, vector<1024x64xf32>, vector<1024x64xf32>, vector<1024x64xf32>, vector<1024x64xf32>, vector<1024x64xf32>, vector<1024x64xf32>, vector<1024x64xf32>, vector<1024x64xf32>, vector<1024x64xf32>, vector<1024x64xf32>, vector<1024x64xf32>, vector<1024x64xf32>, vector<1024x64xf32> -> vector<1024x2048xf32>
    %jit3A = arith.constant 0.000000e+00 : f32
    %broadcast_in_dim3A = vector.broadcast %jit3A : f32 to vector<1024x2048xf32>
    %select_n3A = arith.select %eq3A_4, %concatenate3A, %broadcast_in_dim3A : vector<1024x2048xi1>, vector<1024x2048xf32>
    %dot_general3A = arith.constant dense<0.000000e+00> : vector<1024x64xf32>
    %dot_general3A_11 = tpu.matmul %select_n3A, %get3A_7, %dot_general3A {dimension_numbers = #tpu.dot_dimension_numbers<[1], [0], [0], [1], [0, 0, 1, 1], [], []>, transpose_lhs_hint = false} : vector<1024x2048xf32>, vector<2048x64xf32>, vector<1024x64xf32> -> vector<1024x64xf32>
    %swap3A = arith.constant 0 : index
    %swap3A_12 = arith.constant 0 : index
    %swap3A_13 = vector.load %arg7[%swap3A, %swap3A_12] : memref<1024x64xf32, #tpu.memory_space<vmem>>, vector<1024x64xf32>
    tpu.vector_store %arg7[%swap3A, %swap3A_12], %dot_general3A_11 {strides = array<i32>} : memref<1024x64xf32, #tpu.memory_space<vmem>>, vector<1024x64xf32>,
    %get3A_14 = arith.constant 0 : index
    %get3A_15 = arith.constant 0 : index
    %get3A_16 = vector.load %arg3[%get3A_14, %get3A_15] : memref<1024x128xf32, #tpu.memory_space<vmem>>, vector<1024x128xf32>
    %slice3A_17 = vector.extract_strided_slice %get3A_16 {offsets = [0, 0], sizes = [1024, 64], strides = [1, 1]} : vector<1024x128xf32> to vector<1024x64xf32>
    %concatenate3A_18 = tpu.concatenate %slice3A_17, %slice3A_17, %slice3A_17, %slice3A_17, %slice3A_17, %slice3A_17, %slice3A_17, %slice3A_17, %slice3A_17, %slice3A_17, %slice3A_17, %slice3A_17, %slice3A_17, %slice3A_17, %slice3A_17, %slice3A_17, %slice3A_17, %slice3A_17, %slice3A_17, %slice3A_17, %slice3A_17, %slice3A_17, %slice3A_17, %slice3A_17, %slice3A_17, %slice3A_17, %slice3A_17, %slice3A_17, %slice3A_17, %slice3A_17, %slice3A_17, %slice3A_17 in 1 : vector<1024x64xf32>, vector<1024x64xf32>, vector<1024x64xf32>, vector<1024x64xf32>, vector<1024x64xf32>, vector<1024x64xf32>, vector<1024x64xf32>, vector<1024x64xf32>, vector<1024x64xf32>, vector<1024x64xf32>, vector<1024x64xf32>, vector<1024x64xf32>, vector<1024x64xf32>, vector<1024x64xf32>, vector<1024x64xf32>, vector<1024x64xf32>, vector<1024x64xf32>, vector<1024x64xf32>, vector<1024x64xf32>, vector<1024x64xf32>, vector<1024x64xf32>, vector<1024x64xf32>, vector<1024x64xf32>, vector<1024x64xf32>, vector<1024x64xf32>, vector<1024x64xf32>, vector<1024x64xf32>, vector<1024x64xf32>, vector<1024x64xf32>, vector<1024x64xf32>, vector<1024x64xf32>, vector<1024x64xf32> -> vector<1024x2048xf32>
    %jit3A_19 = arith.constant 0.000000e+00 : f32
    %broadcast_in_dim3A_20 = vector.broadcast %jit3A_19 : f32 to vector<1024x2048xf32>
    %select_n3A_21 = arith.select %eq3A_4, %concatenate3A_18, %broadcast_in_dim3A_20 : vector<1024x2048xi1>, vector<1024x2048xf32>
    %dot_general3A_22 = arith.constant dense<0.000000e+00> : vector<1024x64xf32>
    %dot_general3A_23 = tpu.matmul %select_n3A_21, %get3A_7, %dot_general3A_22 {dimension_numbers = #tpu.dot_dimension_numbers<[1], [0], [0], [1], [0, 0, 1, 1], [], []>, transpose_lhs_hint = false} : vector<1024x2048xf32>, vector<2048x64xf32>, vector<1024x64xf32> -> vector<1024x64xf32>
    %swap3A_24 = arith.constant 0 : index
    %swap3A_25 = arith.constant 0 : index
    %swap3A_26 = vector.load %arg8[%swap3A_24, %swap3A_25] : memref<1024x64xf32, #tpu.memory_space<vmem>>, vector<1024x64xf32>
    tpu.vector_store %arg8[%swap3A_24, %swap3A_25], %dot_general3A_23 {strides = array<i32>} : memref<1024x64xf32, #tpu.memory_space<vmem>>, vector<1024x64xf32>,
    %get3A_27 = arith.constant 0 : index
    %get3A_28 = arith.constant 0 : index
    %get3A_29 = vector.load %arg4[%get3A_27, %get3A_28] : memref<1024x128xf32, #tpu.memory_space<vmem>>, vector<1024x128xf32>
    %slice3A_30 = vector.extract_strided_slice %get3A_29 {offsets = [0, 0], sizes = [1024, 64], strides = [1, 1]} : vector<1024x128xf32> to vector<1024x64xf32>
    %concatenate3A_31 = tpu.concatenate %slice3A_30, %slice3A_30, %slice3A_30, %slice3A_30, %slice3A_30, %slice3A_30, %slice3A_30, %slice3A_30, %slice3A_30, %slice3A_30, %slice3A_30, %slice3A_30, %slice3A_30, %slice3A_30, %slice3A_30, %slice3A_30, %slice3A_30, %slice3A_30, %slice3A_30, %slice3A_30, %slice3A_30, %slice3A_30, %slice3A_30, %slice3A_30, %slice3A_30, %slice3A_30, %slice3A_30, %slice3A_30, %slice3A_30, %slice3A_30, %slice3A_30, %slice3A_30 in 1 : vector<1024x64xf32>, vector<1024x64xf32>, vector<1024x64xf32>, vector<1024x64xf32>, vector<1024x64xf32>, vector<1024x64xf32>, vector<1024x64xf32>, vector<1024x64xf32>, vector<1024x64xf32>, vector<1024x64xf32>, vector<1024x64xf32>, vector<1024x64xf32>, vector<1024x64xf32>, vector<1024x64xf32>, vector<1024x64xf32>, vector<1024x64xf32>, vector<1024x64xf32>, vector<1024x64xf32>, vector<1024x64xf32>, vector<1024x64xf32>, vector<1024x64xf32>, vector<1024x64xf32>, vector<1024x64xf32>, vector<1024x64xf32>, vector<1024x64xf32>, vector<1024x64xf32>, vector<1024x64xf32>, vector<1024x64xf32>, vector<1024x64xf32>, vector<1024x64xf32>, vector<1024x64xf32>, vector<1024x64xf32> -> vector<1024x2048xf32>
    %jit3A_32 = arith.constant 0.000000e+00 : f32
    %broadcast_in_dim3A_33 = vector.broadcast %jit3A_32 : f32 to vector<1024x2048xf32>
    %select_n3A_34 = arith.select %eq3A_4, %concatenate3A_31, %broadcast_in_dim3A_33 : vector<1024x2048xi1>, vector<1024x2048xf32>
    %dot_general3A_35 = arith.constant dense<0.000000e+00> : vector<1024x64xf32>
    %dot_general3A_36 = tpu.matmul %select_n3A_34, %get3A_7, %dot_general3A_35 {dimension_numbers = #tpu.dot_dimension_numbers<[1], [0], [0], [1], [0, 0, 1, 1], [], []>, transpose_lhs_hint = false} : vector<1024x2048xf32>, vector<2048x64xf32>, vector<1024x64xf32> -> vector<1024x64xf32>
    %swap3A_37 = arith.constant 0 : index
    %swap3A_38 = arith.constant 0 : index
    %swap3A_39 = vector.load %arg9[%swap3A_37, %swap3A_38] : memref<1024x64xf32, #tpu.memory_space<vmem>>, vector<1024x64xf32>
    tpu.vector_store %arg9[%swap3A_37, %swap3A_38], %dot_general3A_36 {strides = array<i32>} : memref<1024x64xf32, #tpu.memory_space<vmem>>, vector<1024x64xf32>,
    %iota3A_40 = tpu.iota {dimensions = array<i32: 1>} : vector<1024x32xi32>
    %eq3A_41 = vector.broadcast %get3A_1 : vector<1024x1xi32> to vector<1024x32xi32>
    %eq3A_42 = arith.cmpi eq, %iota3A_40, %eq3A_41 : vector<1024x32xi32>
    %convert_element_type3A = arith.extui %eq3A_42 : vector<1024x32xi1> to vector<1024x32xi32>
    %convert_element_type3A_43 = arith.sitofp %convert_element_type3A : vector<1024x32xi32> to vector<1024x32xf32>
    %get3A_44 = arith.constant 0 : index
    %get3A_45 = arith.constant 0 : index
    %get3A_46 = vector.load %arg6[%get3A_44, %get3A_45] : memref<32x64xf32, #tpu.memory_space<vmem>>, vector<32x64xf32>
    %dot_general3A_47 = arith.constant dense<0.000000e+00> : vector<1024x64xf32>
    %dot_general3A_48 = tpu.matmul %convert_element_type3A_43, %get3A_46, %dot_general3A_47 {dimension_numbers = #tpu.dot_dimension_numbers<[1], [0], [0], [1], [0, 0, 1, 1], [], []>, transpose_lhs_hint = false} : vector<1024x32xf32>, vector<32x64xf32>, vector<1024x64xf32> -> vector<1024x64xf32>
    %swap3A_49 = arith.constant 0 : index
    %swap3A_50 = arith.constant 0 : index
    %swap3A_51 = vector.load %arg10[%swap3A_49, %swap3A_50] : memref<1024x64xf32, #tpu.memory_space<vmem>>, vector<1024x64xf32>
    tpu.vector_store %arg10[%swap3A_49, %swap3A_50], %dot_general3A_48 {strides = array<i32>} : memref<1024x64xf32, #tpu.memory_space<vmem>>, vector<1024x64xf32>,
    return
  }
  func.func @transform_0(%arg0: i32) -> (i32, i32) {
    %c0_i32 = arith.constant 0 : i32
    %c0_i32_0 = arith.constant 0 : i32
    return %arg0, %c0_i32 : i32, i32
  }
  func.func @transform_1(%arg0: i32) -> (i32, i32) {
    %c0_i32 = arith.constant 0 : i32
    %c0_i32_0 = arith.constant 0 : i32
    return %arg0, %c0_i32 : i32, i32
  }
  func.func @transform_2(%arg0: i32) -> (i32, i32) {
    %add3A = arith.constant 16 : i32
    %add3A_0 = arith.addi %arg0, %add3A : i32
    %c0_i32 = arith.constant 0 : i32
    %c0_i32_1 = arith.constant 0 : i32
    return %add3A_0, %c0_i32 : i32, i32
  }
  func.func @transform_3(%arg0: i32) -> (i32, i32) {
    %add3A = arith.constant 32 : i32
    %add3A_0 = arith.addi %arg0, %add3A : i32
    %c0_i32 = arith.constant 0 : i32
    %c0_i32_1 = arith.constant 0 : i32
    return %add3A_0, %c0_i32 : i32, i32
  }
  func.func @transform_4(%arg0: i32) -> (i32, i32) {
    %c0_i32 = arith.constant 0 : i32
    %c0_i32_0 = arith.constant 0 : i32
    %c0_i32_1 = arith.constant 0 : i32
    return %c0_i32, %c0_i32_0 : i32, i32
  }
  func.func @transform_5(%arg0: i32) -> (i32, i32) {
    %c0_i32 = arith.constant 0 : i32
    %c0_i32_0 = arith.constant 0 : i32
    %c0_i32_1 = arith.constant 0 : i32
    return %c0_i32, %c0_i32_0 : i32, i32
  }
  func.func @transform_6(%arg0: i32) -> (i32, i32) {
    %c0_i32 = arith.constant 0 : i32
    %c0_i32_0 = arith.constant 0 : i32
    return %arg0, %c0_i32 : i32, i32
  }
  func.func @transform_7(%arg0: i32) -> (i32, i32) {
    %c0_i32 = arith.constant 0 : i32
    %c0_i32_0 = arith.constant 0 : i32
    return %arg0, %c0_i32 : i32, i32
  }
  func.func @transform_8(%arg0: i32) -> (i32, i32) {
    %c0_i32 = arith.constant 0 : i32
    %c0_i32_0 = arith.constant 0 : i32
    return %arg0, %c0_i32 : i32, i32
  }
  func.func @transform_9(%arg0: i32) -> (i32, i32) {
    %c0_i32 = arith.constant 0 : i32
    %c0_i32_0 = arith.constant 0 : i32
    return %arg0, %c0_i32 : i32, i32
  }
}

</mosaic_0001>

<sc_bundles>
// kernel: kernel.4.cloned.1.call-start
scs
__scs_entry_jumppad:
0x0: {  	(pc) =	sbr.rel $0x88, $3  }
0x1: {  	(tag) =	ssettag $0x0;
	lr =	simm.s32 $0x1  }
0x2: {  	[smem:$0x3F9A] =	sst lr;
	_ =	strace $0xD0000000  }
0x3: {  	_ = 	snop  }
0x4: {  	_ = 	snop  }
0x5: {  	_ = 	snop  }
0x6: {  	_ = 	snop  }
0x7: {  	_ = 	snop  }
__scs_overlays_trampoline_lowered:
0x8: {  	[smem:$0x3FA9] =	sst s0  }
0x9: {  	[smem:$0x3FAA] =	sst s1  }
0xa: {  	[smem:$0x3FAB] =	sst s2  }
0xb: {  	[smem:$0x3FAC] =	sst s3  }
0xc: {  	[smem:$0x3FAD] =	sst s4  }
0xd: {  	[smem:$0x3FAE] =	sst s5  }
0xe: {  	[smem:$0x3FAF] =	sst s6  }
0xf: {  	[smem:$0x3FB0] =	sst s7  }
0x10: {  	[smem:$0x3FB1] =	sst s8  }
0x11: {  	[smem:$0x3FB2] =	sst s9;
	s0 =	simm.s32 @!p0 $0x0  }
0x12: {  	s1 =	sld [smem:$0x3F98];
	s0 =	simm.s32 @p0 $0x1  }
0x13: {  	[smem:$0x3FB3] =	sst s0;
	s0 =	simm.s32 @!p1 $0x0  }
0x14: {  	s2 =	sld [smem:$0x3F97];
	s0 =	simm.s32 @p1 $0x1  }
0x15: {  	[smem:$0x3FB4] =	sst s0;
	s0 =	simm.s32 @!p2 $0x0  }
0x16: {  	s3 =	sld [smem:$0x3FDB];
	s0 =	simm.s32 @p2 $0x1  }
0x17: {  	s4 =	simm.s32 $0x1BF5;
	[smem:$0x3FB6] =	sst s0  }
0x18: {  	s0 =	sld [smem:$0x3F99];
	_ =	swait.ge [sflag:s4], $0x0  }
0x19: {  	s7 =	sld [smem:$0x3F9A]  }
0x1a: {  	s8 =	sadd.s32 $0xFFFFE003, lr  }
0x1b: {  	s9 =	sadd.s32 $0xFFFFFEF7, lr;
	s5 =	simm.s32 $0xFFFFFFFF;
	p2 =	slt.u32 s8, $0xFFFFF086  }
0x1c: {  	p1 =	slt.u32 s9, $0xF7A;
	s5 =	simm.s32 @!p2 $0x0  }
0x1d: {  	s5 =	simm.s32 @p1 $0x1;
	p0 =	seq.s32 s7, s2  }
0x1e: {  	s7 =	smul.u32 @!p0 $0xF7A, s2;
	p2 =	seq.s32 @!p0 s5, $0x0  }
0x1f: {  	s9 =	smul.u32 $0xF7A, s1;
	s8 =	simm.s32 @!p0 $0x1BF5;
	p2 =	por !p2, p0  }
0x20: {  	[sflag:s8] =	ssyncset.s32 @!p0 $0xFFFFF086;
	s6 =	sadd.s32 @!p0 s3, s7;
	s7 =	simm.s32 @!p0 $0x108  }
0x21: {  	s3 =	sadd.s32 s3, s9;
	s6 =	sadd.s32 @!p0 $0x88, s6;
	s7 =	simm.s32 @p2 $0x1082  }
0x22: {  	[simem:s7], [sflag:s8] =	dma.local @!p0 [hbm:s6], $0xF7A  }
0x23: {  	s9 =	sor.u32 $0xD0000000, s2;
	s6 =	simm.s32 $0x108;
	_ =	swait.ge @!p0 [sflag:s8], $0x0  }
0x24: {  	s3 =	sadd.s32 $0x88, s3;
	s6 =	simm.s32 @!p1 $0x1082;
	[sflag:s4] =	ssyncset.s32 $0xFFFFF086  }
0x25: {  	[simem:s6], [sflag:s4] =	dma.local [hbm:s3], $0xF7A  }
0x26: {  	[smem:$0x3F9A] =	sst s1;
	(tag) =	ssettag s2;
	_ =	strace s9  }
0x27: {  	s1 =	sld [smem:$0x3FAA]  }
0x28: {  	s2 =	sld [smem:$0x3FAB]  }
0x29: {  	s4 =	sld [smem:$0x3FAD]  }
0x2a: {  	p0 =	seq.s32 s5, $0x0;
	s5 =	sld [smem:$0x3FAE]  }
0x2b: {  	s6 =	sld [smem:$0x3FAF]  }
0x2c: {  	s7 =	sld [smem:$0x3FB0]  }
0x2d: {  	s3 =	simm.s32 $0x108;
	s8 =	sld [smem:$0x3FB1]  }
0x2e: {  	s3 =	simm.s32 @!p0 $0x1082;
	s9 =	sld [smem:$0x3FB2]  }
0x2f: {  	lr =	sadd.s32 s0, s3;
	s0 =	sld [smem:$0x3FA9]  }
0x30: {  	s3 =	sld [smem:$0x3FAC]  }
0x31: {  	[smem:$0x3FB5] =	sst s10  }
0x32: {  	s10 =	sld [smem:$0x3FB3];
	_ =	sdelay $0x3  }
0x33: {  	p0 =	seq.s32 s10, $0x1;
	s10 =	sld [smem:$0x3FB5];
	_ =	sdelay $0x3  }
0x34: {  	[smem:$0x3FB5] =	sst s10  }
0x35: {  	s10 =	sld [smem:$0x3FB4];
	_ =	sdelay $0x3  }
0x36: {  	p1 =	seq.s32 s10, $0x1;
	s10 =	sld [smem:$0x3FB5];
	_ =	sdelay $0x3  }
0x37: {  	[smem:$0x3FB5] =	sst s10  }
0x38: {  	s10 =	sld [smem:$0x3FB6]  }
0x39: {  	_ = 	snop;
	(pc) =	sbr.ind lr, $3  }
0x3a: {  	_ = 	snop  }
0x3b: {  	_ = 	snop  }
0x3c: {  	p2 =	seq.s32 s10, $0x1;
	s10 =	sld [smem:$0x3FB5]  }
0x3d: {  	_ =	shalt  }
0x3e: {  	_ =	shalt  }
0x3f: {  	_ =	shalt  }
0x40: {  	_ =	shalt  }
0x41: {  	_ =	shalt  }
0x42: {  	_ =	shalt  }
0x43: {  	_ =	shalt  }
0x44: {  	_ =	shalt  }
0x45: {  	_ =	shalt  }
0x46: {  	_ =	shalt  }
0x47: {  	_ =	shalt  }
0x48: {  	_ =	shalt  }
0x49: {  	_ =	shalt  }
0x4a: {  	_ =	shalt  }
0x4b: {  	_ =	shalt  }
0x4c: {  	_ =	shalt  }
0x4d: {  	_ =	shalt  }
0x4e: {  	_ =	shalt  }
0x4f: {  	_ =	shalt  }
0x50: {  	_ =	shalt  }
0x51: {  	_ =	shalt  }
0x52: {  	_ =	shalt  }
0x53: {  	_ =	shalt  }
0x54: {  	_ =	shalt  }
0x55: {  	_ =	shalt  }
0x56: {  	_ =	shalt  }
0x57: {  	_ =	shalt  }
0x58: {  	_ =	shalt  }
0x59: {  	_ =	shalt  }
0x5a: {  	_ =	shalt  }
0x5b: {  	_ =	shalt  }
0x5c: {  	_ =	shalt  }
0x5d: {  	_ =	shalt  }
0x5e: {  	_ =	shalt  }
0x5f: {  	_ =	shalt  }
0x60: {  	_ =	shalt  }
0x61: {  	_ =	shalt  }
0x62: {  	_ =	shalt  }
0x63: {  	_ =	shalt  }
0x64: {  	_ =	shalt  }
0x65: {  	_ =	shalt  }
0x66: {  	_ =	shalt  }
0x67: {  	_ =	shalt  }
0x68: {  	_ =	shalt  }
0x69: {  	_ =	shalt  }
0x6a: {  	_ =	shalt  }
0x6b: {  	_ =	shalt  }
0x6c: {  	_ =	shalt  }
0x6d: {  	_ =	shalt  }
0x6e: {  	_ =	shalt  }
0x6f: {  	_ =	shalt  }
0x70: {  	_ =	shalt  }
0x71: {  	_ =	shalt  }
0x72: {  	_ =	shalt  }
0x73: {  	_ =	shalt  }
0x74: {  	_ =	shalt  }
0x75: {  	_ =	shalt  }
0x76: {  	_ =	shalt  }
0x77: {  	_ =	shalt  }
0x78: {  	_ =	shalt  }
0x79: {  	_ =	shalt  }
0x7a: {  	_ =	shalt  }
0x7b: {  	_ =	shalt  }
0x7c: {  	_ =	shalt  }
0x7d: {  	_ =	shalt  }
0x7e: {  	_ =	shalt  }
0x7f: {  	_ =	shalt  }
0x80: {  	_ =	shalt  }
0x81: {  	_ =	shalt  }
0x82: {  	_ =	shalt  }
0x83: {  	_ =	shalt  }
0x84: {  	_ =	shalt  }
0x85: {  	_ =	shalt  }
0x86: {  	_ =	shalt  }
0x87: {  	_ =	shalt  }
.Lfunc_end0:
.L_simem_size_0:
called_computation_lowered:
.L_overlay_start_0:
0x88: {  	s2 =	sld [smem:$0x3FD9]  }
0x89: {  	s3 =	sld [smem:$0x3FFE];
	_ =	sdelay $0x1  }
0x8a: {  	s1 =	srdreg.scid  }
0x8b: {  	s0 =	sand.u32 $0x1, s1  }
0x8c: {  	s14 =	sshll.u32 s0, $0xA;
	s2 =	sadd.s32 s3, s2  }
0x8d: {  	s2 =	sadd.s32 s2, s14  }
0x8e: {  	[smem:$0x3FC1] =	sst s2  }
0x8f: {  	_ = 	snop  }
0x90: {  	s2 =	sld [smem:$0x3FD0];
	_ =	sdelay $0x2  }
0x91: {  	s15 =	simm.s32 $0xA;
	s4 =	simm.s32 $0x10  }
0x92: {  	[smem:s4], [sflag:s15] =	dma.local [hbm:s2], $0x1  }
0x93: {  	_ =	swait.eq [sflag:s15], $0x1  }
0x94: {  	[sflag:s15] =	ssyncset.done $0x0  }
0x95: {  	[sflag:s15] =	ssyncadd.s32 $0xFFFFFFFF  }
0x96: {  	s16 =	sld [smem:$0x13];
	(tm) =	ssettm $0x1  }
0x97: {  	s17 =	sld [smem:$0x3FFB];
	_ =	sdelay $0x3  }
0x98: {  	_ =	strace s17  }
0x99: {  	s3 =	sld [smem:$0x3FFC];
	_ =	sdelay $0x3  }
0x9a: {  	_ =	strace s3  }
0x9b: {  	s3 =	sld [smem:$0x3FFD];
	_ =	sdelay $0x3  }
0x9c: {  	_ =	strace s3  }
0x9d: {  	_ =	strace $0x8FFFFFFF  }
0x9e: {  	s18 =	sld [smem:$0x3FDB];
	_ =	sdelay $0x1  }
0x9f: {  	s19 =	simm.s32 $_scs_section_size  }
0xa0: {  	s5 =	simm.s32 $_size__tile_overlayer_lowered;
	s6 =	simm.s32 $_tile_overlayer_lowered  }
0xa1: {  	s22 =	simm.s32 $0x1BFF;
	s21 =	sshll.u32 s6, $0x1;
	s3 =	sadd.s32 s19, s18  }
0xa2: {  	s7 =	simm.s32 $0x0;
	s20 =	sshll.u32 s5, $0x1;
	s5 =	sadd.s32 s21, s3  }
0xa3: {  	[timem:s7], [sflag:s22] =	dma.local [hbm:s5], s20  }
0xa4: {  	_ =	swait.ge [sflag:s22], s20  }
0xa5: {  	s4 =	ssub.s32 $0x0, s20;
	[sflag:s22] =	ssyncset.done $0x0  }
0xa6: {  	[sflag:s22] =	ssyncadd.s32 s4;
	_ =	sdelay $0x1  }
0xa7: {  	s23 =	simm.s32 $0x1B8B  }
0xa8: {  	_ =	swait.ge [sflag:s23], $0x1  }
0xa9: {  	[sflag:s23] =	ssyncset.done $0x0  }
0xaa: {  	s25 =	simm.s32 $0x1B8E;
	s24 =	sld [smem:$0x3FFE];
	[sflag:s23] =	ssyncadd.s32 $0xFFFFFFFF  }
0xab: {  	s26 =	simm.s32 $execute0_lowered;
	[smem:$0x3FD2] =	sst s25  }
0xac: {  	s5 =	sshll.u32 s26, $0x1;
	_ =	strace $0x80000046;
	[dreg:$0x1] =	wrdreg $0xFFFFFFFF  }
0xad: {  	s28 =	simm.s32 $_size_execute0_lowered;
	s3 =	sadd.s32 s3, s5;
	[dreg:$0x0] =	wrdreg $0x0  }
0xae: {  	s5 =	sshll.u32 s28, $0x1;
	[dreg:$0x2] =	wrdreg s3  }
0xaf: {  	[dreg:$0x3] =	wrdreg s5  }
0xb0: {  	[dreg:$0x4] =	wrdreg $0xC0  }
0xb1: {  	_ =	task [dreg:s7], $0x5FFFF  }
0xb2: {  	[dreg:$0x1] =	wrdreg $0xFFFFFFFF  }
0xb3: {  	[dreg:$0x0] =	wrdreg $0x60  }
0xb4: {  	[dreg:$0x2] =	wrdreg s24  }
0xb5: {  	[dreg:$0x3] =	wrdreg s16  }
0xb6: {  	[dreg:$0x4] =	wrdreg $0x9  }
0xb7: {  	_ =	task.clear_ibuf [dreg:s7], $0x5FFFF;
	_ =	strace $0x90000046  }
0xb8: {  	s29 =	simm.s32 $0x9;
	_ =	strace $0x80000048  }
0xb9: {  	_ =	swait.ge [sflag:s29], $0x1  }
0xba: {  	[sflag:s29] =	ssyncadd.s32 $0xFFFFFFFF  }
0xbb: {  	_ =	strace $0x90000048  }
0xbc: {  	_ =	sfence  }
0xbd: {  	s30 =	sld [smem:$0x0];
	_ =	sdelay $0x2  }
0xbe: {  	s31 =	sshll.u32 s1, $0xD;
	s1 =	sshrl.u32 s1, $0x2  }
0xbf: {  	s3 =	sand.u32 $0x4000, s31;
	s1 =	sadd.s32 s1, s30  }
0xc0: {  	s0 =	sor.u32 s3, s0;
	s1 =	sshll.u32 s1, $0x11  }
0xc1: {  	s0 =	sor.u32 s1, s0  }
0xc2: {  	s0 =	sadd.s32 $0x8F2B, s0  }
0xc3: {  	[sflag:s0] =	ssyncadd.remote.s32 $0x1  }
0xc4: {  	_ =	sfence.sel $0xFFFF  }
0xc5: {  	[dreg:$0x0] =	wrdreg $0xFFFFFFFF;
	(pc) =	sbr.abs _section_cstart, $3  }
0xc6: {  	[dreg:$0x1] =	wrdreg $0xFFFFFFFF  }
0xc7: {  	_ =	task.clear_ibuf [dreg:s7], $0x2FFFF;
	_ =	strace $0x9FFFFFFF  }
0xc8: {  	(tm) =	ssettm $0x7FFFFFFF  }
0xc9: {  	_ =	shalt  }
tec
execute0_lowered:
.L_overlay_start_1:
0x0: {  	(tag) =	ssettag $0x1  }
0x1: {  	s1 =	srdreg.scid;
	s0 =	stileid.u32  }
0x2: {  	s18 =	rddreg [dreg:$0x0];
	s29 =	sand.u32 $0x1, s1;
	s31 =	sshll.u32 s0, $0x1  }
0x3: {  	s3 =	rddreg [dreg:$0x1];
	s28 =	sor.u32 s29, s31  }
0x4: {  	s2 =	simm.s32 $0x0;
	s1 =	rddreg [dreg:$0x2];
	s4 =	smul.u32 $0xC0, s28  }
0x5: {  	[smem:$0x7FF] =	sst s2  }
0x6: {  	_ =	strace $0x80000047;
	s4 =	sadd.s32 s3, s4;
	s3 =	simm.s32 $0x3  }
0x7: {  	[tilespmem:s2], [sflag:$0x3] =	stream.linear.gather [hbm4b:s4+s2], $0x600, $0x38;
	[tilespmem:$0x18600] =	vst v63  }
0x8: {  	_ =	swait.ge [sflag:s3], $0x600  }
0x9: {  	s6 =	simm.s32 $0x80;
	[sflag:s3] =	ssyncset.done $0x0  }
0xa: {  	s7 =	simm.s32 $0x600;
	s5 =	sadd.s32 $0xF43E00, s18;
	[sflag:s3] =	ssyncadd.s32 $0xFFFFFA00  }
0xb: {  	[tilespmem:s7], [sflag:$0x1] =	stream.indirect.gather [hbm4b:s5+s6], $0x80, s2, s6, $0xb8;
	[tilespmem:$0x18600] =	vst v63  }
0xc: {  	s8 =	simm.s32 $0x4600  }
0xd: {  	[tilespmem:s8], [sflag:$0x1] =	stream.indirect.gather [hbm4b:s5+s6], $0x80, s6, s6, $0xb8;
	[tilespmem:$0x18600] =	vst v63  }
0xe: {  	s9 =	simm.s32 $0x100;
	s10 =	simm.s32 $0x8600  }
0xf: {  	[tilespmem:s10], [sflag:$0x1] =	stream.indirect.gather [hbm4b:s5+s6], $0x80, s9, s6, $0xb8;
	[tilespmem:$0x18600] =	vst v63  }
0x10: {  	s11 =	simm.s32 $0x180;
	s12 =	simm.s32 $0xC600  }
0x11: {  	[tilespmem:s12], [sflag:$0x2] =	stream.indirect.gather [hbm4b:s5+s6], $0x80, s11, s6, $0xb8;
	[tilespmem:$0x18600] =	vst v63  }
0x12: {  	s13 =	simm.s32 $0x200;
	s14 =	simm.s32 $0x10600  }
0x13: {  	[tilespmem:s14], [sflag:$0x2] =	stream.indirect.gather [hbm4b:s5+s6], $0x80, s13, s6, $0xb8;
	[tilespmem:$0x18600] =	vst v63  }
0x14: {  	s15 =	simm.s32 $0x280;
	s16 =	simm.s32 $0x14600;
	s17 =	simm.s32 $0x1  }
0x15: {  	[tilespmem:s16], [sflag:$0x2] =	stream.indirect.gather [hbm4b:s5+s6], $0x80, s15, s6, $0xb8;
	[tilespmem:$0x18600] =	vst v63  }
0x16: {  	_ =	swait.ge [sflag:s17], $0x4000  }
0x17: {  	[sflag:s17] =	ssyncset.done $0x0  }
0x18: {  	[sflag:s17] =	ssyncadd.s32 $0xFFFFC000  }
0x19: {  	_ =	swait.ge [sflag:s17], $0x4000  }
0x1a: {  	[sflag:s17] =	ssyncset.done $0x0  }
0x1b: {  	[sflag:s17] =	ssyncadd.s32 $0xFFFFC000  }
0x1c: {  	s19 =	smul.u32 $0x6000, s28;
	_ =	swait.ge [sflag:s17], $0x4000  }
0x1d: {  	s30 =	sadd.s32 $0x1A00, s18;
	[sflag:s17] =	ssyncset.done $0x0  }
0x1e: {  	s18 =	sadd.s32 s30, s19;
	[sflag:s17] =	ssyncadd.s32 $0xFFFFC000  }
0x1f: {  	[hbm4b:s18+s2] =	stream.linear.scatter [tilespmem:s7], [sflag:$0x3], $0xC000, $0x38;
	[tilespmem:$0x18600] =	vst v63  }
0x20: {  	_ =	swait.ge [sflag:s3], $0xC000  }
0x21: {  	[sflag:s3] =	ssyncset.done $0x0  }
0x22: {  	s19 =	simm.s32 $0x300;
	[sflag:s3] =	ssyncadd.s32 $0xFFFF4000  }
0x23: {  	[tilespmem:s7], [sflag:$0x1] =	stream.indirect.gather [hbm4b:s5+s6], $0x80, s19, s6, $0xb8;
	[tilespmem:$0x18600] =	vst v63  }
0x24: {  	s20 =	simm.s32 $0x380  }
0x25: {  	[tilespmem:s8], [sflag:$0x1] =	stream.indirect.gather [hbm4b:s5+s6], $0x80, s20, s6, $0xb8;
	[tilespmem:$0x18600] =	vst v63  }
0x26: {  	s21 =	simm.s32 $0x400;
	s22 =	simm.s32 $0x2  }
0x27: {  	[tilespmem:s10], [sflag:$0x1] =	stream.indirect.gather [hbm4b:s5+s6], $0x80, s21, s6, $0xb8;
	[tilespmem:$0x18600] =	vst v63  }
0x28: {  	_ =	swait.ge [sflag:s22], $0x4000  }
0x29: {  	[sflag:s22] =	ssyncset.done $0x0  }
0x2a: {  	[sflag:s22] =	ssyncadd.s32 $0xFFFFC000  }
0x2b: {  	_ =	swait.ge [sflag:s22], $0x4000  }
0x2c: {  	[sflag:s22] =	ssyncset.done $0x0  }
0x2d: {  	[sflag:s22] =	ssyncadd.s32 $0xFFFFC000  }
0x2e: {  	_ =	swait.ge [sflag:s22], $0x4000  }
0x2f: {  	[sflag:s22] =	ssyncset.done $0x0  }
0x30: {  	s23 =	sadd.s32 $0x1800, s18;
	[sflag:s22] =	ssyncadd.s32 $0xFFFFC000  }
0x31: {  	[hbm4b:s23+s2] =	stream.linear.scatter [tilespmem:s12], [sflag:$0x3], $0xC000, $0x38;
	[tilespmem:$0x18600] =	vst v63  }
0x32: {  	_ =	swait.ge [sflag:s3], $0xC000  }
0x33: {  	[sflag:s3] =	ssyncset.done $0x0  }
0x34: {  	s24 =	simm.s32 $0x480;
	[sflag:s3] =	ssyncadd.s32 $0xFFFF4000  }
0x35: {  	[tilespmem:s12], [sflag:$0x2] =	stream.indirect.gather [hbm4b:s5+s6], $0x80, s24, s6, $0xb8;
	[tilespmem:$0x18600] =	vst v63  }
0x36: {  	s25 =	simm.s32 $0x500  }
0x37: {  	[tilespmem:s14], [sflag:$0x2] =	stream.indirect.gather [hbm4b:s5+s6], $0x80, s25, s6, $0xb8;
	[tilespmem:$0x18600] =	vst v63  }
0x38: {  	s26 =	simm.s32 $0x580  }
0x39: {  	[tilespmem:s16], [sflag:$0x2] =	stream.indirect.gather [hbm4b:s5+s6], $0x80, s26, s6, $0xb8;
	[tilespmem:$0x18600] =	vst v63  }
0x3a: {  	_ =	swait.ge [sflag:s17], $0x4000  }
0x3b: {  	[sflag:s17] =	ssyncset.done $0x0  }
0x3c: {  	[sflag:s17] =	ssyncadd.s32 $0xFFFFC000  }
0x3d: {  	_ =	swait.ge [sflag:s17], $0x4000  }
0x3e: {  	s28 =	smul.u32 $0x30000, s28;
	[sflag:s17] =	ssyncset.done $0x0  }
0x3f: {  	[sflag:s17] =	ssyncadd.s32 $0xFFFFC000  }
0x40: {  	s28 =	sshrl.u32 s28, $0x3;
	_ =	swait.ge [sflag:s17], $0x4000  }
0x41: {  	s30 =	sadd.s32 s30, s28;
	[sflag:s17] =	ssyncset.done $0x0  }
0x42: {  	s28 =	sadd.s32 $0x3000, s30;
	[sflag:s17] =	ssyncadd.s32 $0xFFFFC000  }
0x43: {  	[hbm4b:s28+s2] =	stream.linear.scatter [tilespmem:s7], [sflag:$0x3], $0xC000, $0x38;
	[tilespmem:$0x18600] =	vst v63  }
0x44: {  	_ =	swait.ge [sflag:s3], $0xC000  }
0x45: {  	[sflag:s3] =	ssyncset.done $0x0  }
0x46: {  	[sflag:s3] =	ssyncadd.s32 $0xFFFF4000  }
0x47: {  	_ =	swait.ge [sflag:s22], $0x4000  }
0x48: {  	[sflag:s22] =	ssyncset.done $0x0  }
0x49: {  	s29 =	ssub.s32 $0x2, s29;
	[sflag:s22] =	ssyncadd.s32 $0xFFFFC000  }
0x4a: {  	s31 =	sshrl.u32 s29, $0x1;
	_ =	swait.ge [sflag:s22], $0x4000  }
0x4b: {  	s31 =	ssub.s32 s29, s31;
	[sflag:s22] =	ssyncset.done $0x0  }
0x4c: {  	s29 =	sadd.s32 $0x4800, s30;
	s30 =	smax.u32 s31, $0x1;
	[sflag:s22] =	ssyncadd.s32 $0xFFFFC000  }
0x4d: {  	p0 =	sne.s32 s30, $0x1;
	_ =	swait.ge [sflag:s22], $0x4000  }
.Ltmp0:
0x4e: {  	[sflag:s22] =	ssyncset.done $0x0;
	(pc) =	sbr.rel @!p0 .LBB2_2-.Ltmp0, $4  }
0x4f: {  	[sflag:s22] =	ssyncadd.s32 $0xFFFFC000  }
0x50: {  	[hbm4b:s29+s2] =	stream.linear.scatter [tilespmem:s12], [sflag:$0x3], $0xC000, $0x38;
	[tilespmem:$0x18600] =	vst v63  }
0x51: {  	_ =	swait.ge [sflag:s3], $0xC000  }
0x52: {  	s30 =	sadd.s32 $0xFFFFFFFF, s30;
	[sflag:s3] =	ssyncset.done $0x0  }
.LBB2_1:
0x53: {  	p0 =	sne.s32 s30, $0x1;
	s30 =	sadd.s32 $0xFFFFFFFF, s30;
	[sflag:s3] =	ssyncadd.s32 $0xFFFF4000  }
0x54: {  	[tilespmem:s2], [sflag:$0x3] =	stream.linear.gather [hbm4b:s4+s2], $0x600, $0x38;
	[tilespmem:$0x18600] =	vst v63  }
0x55: {  	_ =	swait.ge [sflag:s3], $0x600  }
0x56: {  	[sflag:s3] =	ssyncset.done $0x0  }
0x57: {  	[sflag:s3] =	ssyncadd.s32 $0xFFFFFA00  }
0x58: {  	[tilespmem:s7], [sflag:$0x1] =	stream.indirect.gather [hbm4b:s5+s6], $0x80, s2, s6, $0xb8;
	[tilespmem:$0x18600] =	vst v63  }
0x59: {  	_ = 	snop  }
0x5a: {  	[tilespmem:s8], [sflag:$0x1] =	stream.indirect.gather [hbm4b:s5+s6], $0x80, s6, s6, $0xb8;
	[tilespmem:$0x18600] =	vst v63  }
0x5b: {  	_ = 	snop  }
0x5c: {  	[tilespmem:s10], [sflag:$0x1] =	stream.indirect.gather [hbm4b:s5+s6], $0x80, s9, s6, $0xb8;
	[tilespmem:$0x18600] =	vst v63  }
0x5d: {  	_ = 	snop  }
0x5e: {  	[tilespmem:s12], [sflag:$0x2] =	stream.indirect.gather [hbm4b:s5+s6], $0x80, s11, s6, $0xb8;
	[tilespmem:$0x18600] =	vst v63  }
0x5f: {  	_ = 	snop  }
0x60: {  	[tilespmem:s14], [sflag:$0x2] =	stream.indirect.gather [hbm4b:s5+s6], $0x80, s13, s6, $0xb8;
	[tilespmem:$0x18600] =	vst v63  }
0x61: {  	_ = 	snop  }
0x62: {  	[tilespmem:s16], [sflag:$0x2] =	stream.indirect.gather [hbm4b:s5+s6], $0x80, s15, s6, $0xb8;
	[tilespmem:$0x18600] =	vst v63  }
0x63: {  	_ =	swait.ge [sflag:s17], $0x4000  }
0x64: {  	[sflag:s17] =	ssyncset.done $0x0  }
0x65: {  	[sflag:s17] =	ssyncadd.s32 $0xFFFFC000  }
0x66: {  	_ =	swait.ge [sflag:s17], $0x4000  }
0x67: {  	[sflag:s17] =	ssyncset.done $0x0  }
0x68: {  	[sflag:s17] =	ssyncadd.s32 $0xFFFFC000  }
0x69: {  	_ =	swait.ge [sflag:s17], $0x4000  }
0x6a: {  	[sflag:s17] =	ssyncset.done $0x0  }
0x6b: {  	[sflag:s17] =	ssyncadd.s32 $0xFFFFC000  }
0x6c: {  	[hbm4b:s18+s2] =	stream.linear.scatter [tilespmem:s7], [sflag:$0x3], $0xC000, $0x38;
	[tilespmem:$0x18600] =	vst v63  }
0x6d: {  	_ =	swait.ge [sflag:s3], $0xC000  }
0x6e: {  	[sflag:s3] =	ssyncset.done $0x0  }
0x6f: {  	[sflag:s3] =	ssyncadd.s32 $0xFFFF4000  }
0x70: {  	[tilespmem:s7], [sflag:$0x1] =	stream.indirect.gather [hbm4b:s5+s6], $0x80, s19, s6, $0xb8;
	[tilespmem:$0x18600] =	vst v63  }
0x71: {  	_ = 	snop  }
0x72: {  	[tilespmem:s8], [sflag:$0x1] =	stream.indirect.gather [hbm4b:s5+s6], $0x80, s20, s6, $0xb8;
	[tilespmem:$0x18600] =	vst v63  }
0x73: {  	_ = 	snop  }
0x74: {  	[tilespmem:s10], [sflag:$0x1] =	stream.indirect.gather [hbm4b:s5+s6], $0x80, s21, s6, $0xb8;
	[tilespmem:$0x18600] =	vst v63  }
0x75: {  	_ =	swait.ge [sflag:s22], $0x4000  }
0x76: {  	[sflag:s22] =	ssyncset.done $0x0  }
0x77: {  	[sflag:s22] =	ssyncadd.s32 $0xFFFFC000  }
0x78: {  	_ =	swait.ge [sflag:s22], $0x4000  }
0x79: {  	[sflag:s22] =	ssyncset.done $0x0  }
0x7a: {  	[sflag:s22] =	ssyncadd.s32 $0xFFFFC000  }
0x7b: {  	_ =	swait.ge [sflag:s22], $0x4000  }
0x7c: {  	[sflag:s22] =	ssyncset.done $0x0  }
0x7d: {  	[sflag:s22] =	ssyncadd.s32 $0xFFFFC000  }
0x7e: {  	[hbm4b:s23+s2] =	stream.linear.scatter [tilespmem:s12], [sflag:$0x3], $0xC000, $0x38;
	[tilespmem:$0x18600] =	vst v63  }
0x7f: {  	_ =	swait.ge [sflag:s3], $0xC000  }
0x80: {  	[sflag:s3] =	ssyncset.done $0x0  }
0x81: {  	[sflag:s3] =	ssyncadd.s32 $0xFFFF4000  }
0x82: {  	[tilespmem:s12], [sflag:$0x2] =	stream.indirect.gather [hbm4b:s5+s6], $0x80, s24, s6, $0xb8;
	[tilespmem:$0x18600] =	vst v63  }
0x83: {  	_ = 	snop  }
0x84: {  	[tilespmem:s14], [sflag:$0x2] =	stream.indirect.gather [hbm4b:s5+s6], $0x80, s25, s6, $0xb8;
	[tilespmem:$0x18600] =	vst v63  }
0x85: {  	_ = 	snop  }
0x86: {  	[tilespmem:s16], [sflag:$0x2] =	stream.indirect.gather [hbm4b:s5+s6], $0x80, s26, s6, $0xb8;
	[tilespmem:$0x18600] =	vst v63  }
0x87: {  	_ =	swait.ge [sflag:s17], $0x4000  }
0x88: {  	[sflag:s17] =	ssyncset.done $0x0  }
0x89: {  	[sflag:s17] =	ssyncadd.s32 $0xFFFFC000  }
0x8a: {  	_ =	swait.ge [sflag:s17], $0x4000  }
0x8b: {  	[sflag:s17] =	ssyncset.done $0x0  }
0x8c: {  	[sflag:s17] =	ssyncadd.s32 $0xFFFFC000  }
0x8d: {  	_ =	swait.ge [sflag:s17], $0x4000  }
0x8e: {  	[sflag:s17] =	ssyncset.done $0x0  }
0x8f: {  	[sflag:s17] =	ssyncadd.s32 $0xFFFFC000  }
0x90: {  	[hbm4b:s28+s2] =	stream.linear.scatter [tilespmem:s7], [sflag:$0x3], $0xC000, $0x38;
	[tilespmem:$0x18600] =	vst v63  }
0x91: {  	_ =	swait.ge [sflag:s3], $0xC000  }
0x92: {  	[sflag:s3] =	ssyncset.done $0x0  }
0x93: {  	[sflag:s3] =	ssyncadd.s32 $0xFFFF4000  }
0x94: {  	_ =	swait.ge [sflag:s22], $0x4000  }
0x95: {  	[sflag:s22] =	ssyncset.done $0x0  }
0x96: {  	[sflag:s22] =	ssyncadd.s32 $0xFFFFC000  }
0x97: {  	_ =	swait.ge [sflag:s22], $0x4000  }
0x98: {  	[sflag:s22] =	ssyncset.done $0x0  }
0x99: {  	[sflag:s22] =	ssyncadd.s32 $0xFFFFC000  }
0x9a: {  	_ =	swait.ge [sflag:s22], $0x4000  }
.Ltmp1:
0x9b: {  	[sflag:s22] =	ssyncset.done $0x0;
	(pc) =	sbr.rel @p0 .LBB2_1-.Ltmp1, $4  }
0x9c: {  	[sflag:s22] =	ssyncadd.s32 $0xFFFFC000  }
0x9d: {  	[hbm4b:s29+s2] =	stream.linear.scatter [tilespmem:s12], [sflag:$0x3], $0xC000, $0x38;
	[tilespmem:$0x18600] =	vst v63  }
0x9e: {  	_ =	swait.ge [sflag:s3], $0xC000  }
0x9f: {  	[sflag:s3] =	ssyncset.done $0x0  }
.LBB2_2:
0xa0: {  	[sflag:s3] =	ssyncadd.s32 $0xFFFF4000  }
0xa1: {  	_ =	sfence.sel $0x180000  }
0xa2: {  	[bflag:$0x0] =	sbarrier.arrive $0xFFFF  }
0xa3: {  	p0 =	sne.s32 s0, $0x0;
	_ =	strace $0x90000047  }
0xa4: {  	s0 =	sadd.s32 @!p0 $0x100000, s1;
	[bflag:$0x2] =	sbarrier.arrive $0xFFFF  }
0xa5: {  	[sflag:s0] =	ssyncadd.tile.s32 @!p0 $0x1;
	_ =	shalt  }
.Lfunc_end2:
_tile_overlayer_lowered:
.L_overlay_start_2:
0xa6: {  	(tag) =	ssettag $0x2  }
0xa7: {  	s0 =	rddreg [dreg:$0x0];
	s2 =	stileid.u32  }
0xa8: {  	s1 =	rddreg [dreg:$0x1];
	p0 =	sne.s32 s2, $0x0  }
0xa9: {  	s3 =	rddreg [dreg:$0x2];
	[bflag:$0x3] =	sbarrier.arrive $0xFFFF;
	s2 =	simm.s32 @!p0 $0x1C03  }
0xaa: {  	[timem:s3], [sflag:s2] =	dma.local @!p0 [hbm:s0], s1  }
0xab: {  	s0 =	simm.s32 @!p0 $0x3  }
0xac: {  	_ =	swait.ge @!p0 [sflag:s0], s1  }
0xad: {  	s1 =	ssub.s32 @!p0 $0x0, s1;
	[sflag:s0] =	ssyncset.done @!p0 $0x0  }
0xae: {  	[sflag:s0] =	ssyncadd.s32 @!p0 s1  }
0xaf: {  	[bflag:$0x3] =	sbarrier.arrive $0xFFFF  }
0xb0: {  	_ =	shalt  }

</sc_bundles>
